<compile_context>
chip_gen: v7x
topology: tpu7x:2x2x1
jax: 0.10.2.dev20260603
libtpu: 0.0.44.dev20260713+nightly
codegen_flags: <defaults>
</compile_context>

<pallas_src>
import functools

import jax
import jax.numpy as jnp
from jax import lax
from jax.experimental import pallas as pl
from jax.experimental.pallas import tpu as pltpu
from jax.experimental.pallas import tpu_sc as plsc

NC = 2
NS = 16
L = 16
CHUNK = 80


def _sc_deg_kernel(n_pad, chunks_per_tile, et):
    mesh = plsc.VectorSubcoreMesh(core_axis_name="c", subcore_axis_name="s")
    npt = n_pad // NS

    @functools.partial(
        pl.kernel,
        mesh=mesh,
        compiler_params=pltpu.CompilerParams(use_tc_tiling_on_sc=False),
        out_type=jax.ShapeDtypeStruct((NC, n_pad), jnp.float32),
        scratch_types=[
            pltpu.VMEM_SHARED((n_pad,), jnp.float32),
            pltpu.VMEM((CHUNK,), jnp.int32),
            pltpu.VMEM((CHUNK,), jnp.float32),
            pltpu.VMEM((n_pad // NS,), jnp.float32),
        ],
    )
    def k(col_hbm, ew_hbm, out_hbm, shared_deg, colv, ewv, zbuf):
        cid = lax.axis_index("c")
        sid = lax.axis_index("s")
        w = cid * NS + sid

        def zb(i, _):
            zbuf[pl.ds(i * L, L)] = jnp.zeros((L,), jnp.float32)
            return 0

        lax.fori_loop(0, npt // L, zb, 0)
        pltpu.sync_copy(zbuf, shared_deg.at[pl.ds(sid * npt, npt)])
        plsc.subcore_barrier()

        def body(c, _):
            base = w * et + c * CHUNK
            pltpu.sync_copy(col_hbm.at[pl.ds(base, CHUNK)], colv)
            pltpu.sync_copy(ew_hbm.at[pl.ds(base, CHUNK)], ewv)
            pltpu.sync_copy(ewv, shared_deg.at[colv], add=True)
            return 0

        lax.fori_loop(0, chunks_per_tile, body, 0)
        plsc.subcore_barrier()
        pltpu.sync_copy(
            shared_deg.at[pl.ds(sid * npt, npt)],
            out_hbm.at[cid, pl.ds(sid * npt, npt)],
        )

    return k


def _sc_msg_kernel(n_pad, chunks_per_tile, et, c_feat):
    mesh = plsc.VectorSubcoreMesh(core_axis_name="c", subcore_axis_name="s")
    npt = n_pad // NS

    @functools.partial(
        pl.kernel,
        mesh=mesh,
        compiler_params=pltpu.CompilerParams(use_tc_tiling_on_sc=False),
        out_type=jax.ShapeDtypeStruct((NC, n_pad, c_feat), jnp.float32),
        scratch_types=[
            pltpu.VMEM_SHARED((n_pad, c_feat), jnp.float32),
            pltpu.VMEM((CHUNK,), jnp.int32),
            pltpu.VMEM((CHUNK,), jnp.int32),
            pltpu.VMEM((CHUNK,), jnp.float32),
            pltpu.VMEM((CHUNK, c_feat), jnp.float32),
            pltpu.VMEM((CHUNK,), jnp.float32),
            pltpu.VMEM((CHUNK,), jnp.float32),
            pltpu.VMEM((n_pad // NS, c_feat), jnp.float32),
        ],
    )
    def k(row_hbm, col_hbm, ew_hbm, h_hbm, dinv_hbm, out_hbm,
          shared_out, rowv, colv, ewv, hrows, drv, dcv, zbuf):
        cid = lax.axis_index("c")
        sid = lax.axis_index("s")
        w = cid * NS + sid

        def zb(i, _):
            zbuf[i, :] = jnp.zeros((L,), jnp.float32)
            return 0

        lax.fori_loop(0, npt, zb, 0)
        pltpu.sync_copy(zbuf, shared_out.at[pl.ds(sid * npt, npt), :])
        plsc.subcore_barrier()

        def body(c, _):
            base = w * et + c * CHUNK
            pltpu.sync_copy(row_hbm.at[pl.ds(base, CHUNK)], rowv)
            pltpu.sync_copy(col_hbm.at[pl.ds(base, CHUNK)], colv)
            pltpu.sync_copy(ew_hbm.at[pl.ds(base, CHUNK)], ewv)
            pltpu.sync_copy(h_hbm.at[rowv], hrows)
            pltpu.sync_copy(dinv_hbm.at[rowv], drv)
            pltpu.sync_copy(dinv_hbm.at[colv], dcv)
            for kk in range(CHUNK // L):
                s = pl.ds(kk * L, L)
                nv = drv[s] * ewv[s] * dcv[s]
                for j in range(L):
                    e = kk * L + j
                    hrows[e, :] = hrows[e, :] * nv[j]
            pltpu.sync_copy(hrows, shared_out.at[colv], add=True)
            return 0

        lax.fori_loop(0, chunks_per_tile, body, 0)
        plsc.subcore_barrier()
        pltpu.sync_copy(
            shared_out.at[pl.ds(sid * npt, npt), :],
            out_hbm.at[cid, pl.ds(sid * npt, npt), :],
        )

    return k


def _tc_h_dinv(x, W, d0, d1):
    n, f = x.shape
    c = W.shape[1]

    def body(x_ref, w_ref, d0_ref, d1_ref, h_ref, dinv_ref):
        h_ref[...] = jnp.dot(x_ref[...], w_ref[...],
                             preferred_element_type=jnp.float32)
        d = d0_ref[...] + d1_ref[...]
        dinv_ref[...] = jnp.where(d > 0, lax.rsqrt(jnp.where(d > 0, d, 1.0)), 0.0)

    return pl.pallas_call(
        body,
        out_shape=(
            jax.ShapeDtypeStruct((n, c), jnp.float32),
            jax.ShapeDtypeStruct(d0.shape, jnp.float32),
        ),
    )(x, W, d0, d1)


def _tc_finish(p0, p1, b2d):

    def body(p0_ref, p1_ref, b_ref, o_ref):
        o_ref[...] = jax.nn.sigmoid(p0_ref[...] + p1_ref[...] + b_ref[...])

    return pl.pallas_call(
        body,
        out_shape=jax.ShapeDtypeStruct(p0.shape, jnp.float32),
    )(p0, p1, b2d)


def kernel(x, edge_index, edge_weight, W, b):
    n, f = x.shape
    c = W.shape[1]
    e = edge_index.shape[1]

    n_pad = ((n + NC * 128 - 1) // (NC * 128)) * NC * 128

    loop = jnp.arange(n, dtype=edge_index.dtype)
    e_real = e + n
    grp = NC * NS * CHUNK
    e_pad = ((e_real + grp - 1) // grp) * grp
    pad = e_pad - e_real
    row = jnp.concatenate([edge_index[0], loop,
                           jnp.zeros((pad,), edge_index.dtype)])
    col = jnp.concatenate([edge_index[1], loop,
                           jnp.zeros((pad,), edge_index.dtype)])
    ew = jnp.concatenate([edge_weight, jnp.ones((n,), edge_weight.dtype),
                          jnp.zeros((pad,), edge_weight.dtype)])
    et = e_pad // (NC * NS)
    chunks_per_tile = et // CHUNK

    deg_part = _sc_deg_kernel(n_pad, chunks_per_tile, et)(col, ew)

    d0 = deg_part[0].reshape(n_pad // 128, 128)
    d1 = deg_part[1].reshape(n_pad // 128, 128)
    h, dinv2d = _tc_h_dinv(x, W, d0, d1)
    dinv = dinv2d.reshape(n_pad)

    out_part = _sc_msg_kernel(n_pad, chunks_per_tile, et, c)(
        row, col, ew, h, dinv)

    out = _tc_finish(out_part[0], out_part[1], b.reshape(1, c))
    return out[:n]

# --- scband reference (transcript-rebuilt; emitter-appended) ---
"""Pipeline reference for scband-graph-conv-30889404793461 (READ-ONLY COPY).

The authoritative reference and input builder live on the scoring server;
editing this copy changes nothing except your own understanding.
"""

import jax, jax.numpy as jnp
import numpy as np

N = 10000
E = 320000
F = 128
C = 16


def setup_inputs(seed: int = 0) -> dict:
    key = jax.random.key(seed)
    k1, k2, k3, k4 = jax.random.split(key, 4)
    x = jax.random.normal(k1, (N, F), dtype=jnp.float32)
    edge_index = jax.random.randint(k2, (2, E), 0, N, dtype=jnp.int32)
    edge_weight = jax.random.uniform(k3, (E,), dtype=jnp.float32)
    # GCNConv learned params: lin.weight (stored transposed here as [F, C]) and bias [C]
    W = jax.random.normal(k4, (F, C), dtype=jnp.float32) / np.sqrt(F)
    b = jnp.zeros((C,), dtype=jnp.float32)
    return {"x": x, "edge_index": edge_index, "edge_weight": edge_weight, "W": W, "b": b}


def reference(x, edge_index, edge_weight, W, b):
    # Faithful GCNConv (add_self_loops=True, normalize=True) followed by sigmoid,
    # matching GraphConv.forward.
    n = x.shape[0]
    loop = jnp.arange(n, dtype=edge_index.dtype)
    ei = jnp.concatenate([edge_index, jnp.stack([loop, loop], axis=0)], axis=1)
    ew = jnp.concatenate([edge_weight, jnp.ones((n,), dtype=edge_weight.dtype)], axis=0)
    row = ei[0]  # source
    col = ei[1]  # target
    # symmetric normalization: deg computed on target nodes from edge weights
    deg = jnp.zeros((n,), dtype=x.dtype).at[col].add(ew)
    deg_inv_sqrt = jnp.where(deg > 0, jax.lax.rsqrt(jnp.where(deg > 0, deg, 1.0)), 0.0)
    norm = deg_inv_sqrt[row] * ew * deg_inv_sqrt[col]
    # linear transform then propagate (gather from src, scatter-add to dst)
    h = x @ W
    msgs = norm[:, None] * jnp.take(h, row, axis=0)
    out = jnp.zeros((n, W.shape[1]), dtype=x.dtype).at[col].add(msgs)
    out = out + b
    return jax.nn.sigmoid(out)

if __name__ == "__main__":
    import jax
    _d = setup_inputs()
    print(jax.jit(kernel)(*tuple(_d.values())))

</pallas_src>

<mosaic_0001>
#map = affine_map<(d0, d1) -> (0)>
#map1 = affine_map<(d0, d1) -> (0, 0)>
#map2 = affine_map<(d0, d1) -> (0, 0, 0)>
module attributes {stable_mosaic.version = 14 : i64} {
  func.func @k(%arg0: i32, %arg1: i32, %arg2: memref<330240xi32, #tpu.memory_space<hbm>>, %arg3: memref<330240xi32, #tpu.memory_space<hbm>>, %arg4: memref<330240xf32, #tpu.memory_space<hbm>>, %arg5: memref<10000x16xf32, #tpu.memory_space<hbm>>, %arg6: memref<10240xf32, #tpu.memory_space<hbm>>, %arg7: memref<2x10240x16xf32, #tpu.memory_space<hbm>>, %arg8: memref<10240x16xf32, #tpu.memory_space<vmem_shared>>, %arg9: memref<80xi32, #tpu.memory_space<vmem>>, %arg10: memref<80xi32, #tpu.memory_space<vmem>>, %arg11: memref<80xf32, #tpu.memory_space<vmem>>, %arg12: memref<80x16xf32, #tpu.memory_space<vmem>>, %arg13: memref<80xf32, #tpu.memory_space<vmem>>, %arg14: memref<80xf32, #tpu.memory_space<vmem>>, %arg15: memref<640x16xf32, #tpu.memory_space<vmem>>) attributes {dimension_semantics = [#tpu.dimension_semantics<core_parallel>, #tpu.dimension_semantics<subcore_parallel>], iteration_bounds = array<i64: 2, 16>, scalar_prefetch = 0 : i64, scratch_operands = 8 : i64, tpu.core_type = #tpu.core_type<sc_vector_subcore>, window_params = [{transform_indices = #map}, {transform_indices = #map}, {transform_indices = #map}, {transform_indices = #map1}, {transform_indices = #map}, {transform_indices = #map2}]} {
    %mul3A = arith.constant 16 : i32
    %mul3A_0 = arith.muli %arg0, %mul3A : i32
    %add3A = arith.addi %mul3A_0, %arg1 : i32
    %scan3A = arith.constant 0 : i32
    %scan3A_1 = arith.constant 0 : i32
    %scan3A_2 = arith.constant 640 : i32
    %scan3A_3 = arith.addi %scan3A_1, %scan3A_2 : i32
    %scan3A_4 = arith.constant 1 : i32
    %scan3A_5 = scf.for %scan3A_21 = %scan3A_1 to %scan3A_3 step %scan3A_4 iter_args(%scan3A_22 = %scan3A) -> (i32)  : i32 {
      %broadcast_in_dim3A = arith.constant 0.000000e+00 : f32
      %broadcast_in_dim3A_23 = vector.broadcast %broadcast_in_dim3A : f32 to vector<16xf32>
      %swap3A = arith.index_cast %scan3A_21 : i32 to index
      %swap3A_24 = arith.constant 0 : index
      %swap3A_25 = tpu.vector_load %arg15[%swap3A, %swap3A_24] {strides = array<i32>} : memref<640x16xf32, #tpu.memory_space<vmem>>, vector<1x16xf32>,
      %swap3A_26 = vector.shape_cast %swap3A_25 : vector<1x16xf32> to vector<16xf32>
      %swap3A_27 = vector.shape_cast %broadcast_in_dim3A_23 : vector<16xf32> to vector<1x16xf32>
      tpu.vector_store %arg15[%swap3A, %swap3A_24], %swap3A_27 {strides = array<i32>} : memref<640x16xf32, #tpu.memory_space<vmem>>, vector<1x16xf32>,
      %scan3A_28 = arith.constant 0 : i32
      scf.yield %scan3A_28 : i32
    }
    %scan3A_6 = arith.constant 640 : i32
    %mul3A_7 = arith.constant 640 : i32
    %mul3A_8 = arith.muli %arg1, %mul3A_7 : i32
    "tpu.region"() ({
      %run_scoped3A = tpu.sem_alloc : memref<!tpu.dma_semaphore, #tpu.memory_space<semaphore_mem>>
      %dma_start3A = arith.constant 0 : i32
      %dma_start3A_21 = tpu.memref_slice %arg8[%mul3A_8, %dma_start3A] : memref<10240x16xf32, #tpu.memory_space<vmem_shared>> -> memref<640x16xf32, #tpu.memory_space<vmem_shared>>
      %dma_start3A_22 = arith.constant 0 : i32
      %dma_start3A_23 = tpu.memref_slice %arg8[%mul3A_8, %dma_start3A_22] : memref<10240x16xf32, #tpu.memory_space<vmem_shared>> -> memref<640x16xf32, #tpu.memory_space<vmem_shared>>
      tpu.enqueue_dma source(%arg15 : memref<640x16xf32, #tpu.memory_space<vmem>>) target(%dma_start3A_23 : memref<640x16xf32, #tpu.memory_space<vmem_shared>>) target_semaphore(%run_scoped3A : memref<!tpu.dma_semaphore, #tpu.memory_space<semaphore_mem>>)
      %dma_wait3A = arith.constant 0 : i32
      %dma_wait3A_24 = tpu.memref_slice %arg8[%mul3A_8, %dma_wait3A] : memref<10240x16xf32, #tpu.memory_space<vmem_shared>> -> memref<640x16xf32, #tpu.memory_space<vmem_shared>>
      %dma_wait3A_25 = arith.constant 0 : i32
      %dma_wait3A_26 = tpu.memref_slice %arg8[%mul3A_8, %dma_wait3A_25] : memref<10240x16xf32, #tpu.memory_space<vmem_shared>> -> memref<640x16xf32, #tpu.memory_space<vmem_shared>>
      tpu.wait_dma2 semaphore(%run_scoped3A : memref<!tpu.dma_semaphore, #tpu.memory_space<semaphore_mem>>) src(%arg15 : memref<640x16xf32, #tpu.memory_space<vmem>>) dst(%dma_wait3A_26 : memref<640x16xf32, #tpu.memory_space<vmem_shared>>)
      tpu.yield
    }) : () -> ()
    %barrier3A = arith.constant 0 : index
    tpu.barrier barrier_id(%barrier3A)
    %scan3A_9 = arith.constant 0 : i32
    %scan3A_10 = arith.constant 0 : i32
    %scan3A_11 = arith.constant 129 : i32
    %scan3A_12 = arith.addi %scan3A_10, %scan3A_11 : i32
    %scan3A_13 = arith.constant 1 : i32
    %scan3A_14 = scf.for %scan3A_21 = %scan3A_10 to %scan3A_12 step %scan3A_13 iter_args(%scan3A_22 = %scan3A_9) -> (i32)  : i32 {
      %mul3A_23 = arith.constant 10320 : i32
      %mul3A_24 = arith.muli %add3A, %mul3A_23 : i32
      %mul3A_25 = arith.constant 80 : i32
      %mul3A_26 = arith.muli %scan3A_21, %mul3A_25 : i32
      %add3A_27 = arith.addi %mul3A_24, %mul3A_26 : i32
      "tpu.region"() ({
        %run_scoped3A = tpu.sem_alloc : memref<!tpu.dma_semaphore, #tpu.memory_space<semaphore_mem>>
        %dma_start3A = tpu.memref_slice %arg2[%add3A_27] : memref<330240xi32, #tpu.memory_space<hbm>> -> memref<80xi32, #tpu.memory_space<hbm>>
        %dma_start3A_1280 = tpu.memref_slice %arg2[%add3A_27] : memref<330240xi32, #tpu.memory_space<hbm>> -> memref<80xi32, #tpu.memory_space<hbm>>
        tpu.enqueue_dma source(%dma_start3A_1280 : memref<80xi32, #tpu.memory_space<hbm>>) target(%arg9 : memref<80xi32, #tpu.memory_space<vmem>>) target_semaphore(%run_scoped3A : memref<!tpu.dma_semaphore, #tpu.memory_space<semaphore_mem>>)
        %dma_wait3A = tpu.memref_slice %arg2[%add3A_27] : memref<330240xi32, #tpu.memory_space<hbm>> -> memref<80xi32, #tpu.memory_space<hbm>>
        %dma_wait3A_1281 = tpu.memref_slice %arg2[%add3A_27] : memref<330240xi32, #tpu.memory_space<hbm>> -> memref<80xi32, #tpu.memory_space<hbm>>
        tpu.wait_dma2 semaphore(%run_scoped3A : memref<!tpu.dma_semaphore, #tpu.memory_space<semaphore_mem>>) src(%dma_wait3A_1281 : memref<80xi32, #tpu.memory_space<hbm>>) dst(%arg9 : memref<80xi32, #tpu.memory_space<vmem>>)
        tpu.yield
      }) : () -> ()
      "tpu.region"() ({
        %run_scoped3A = tpu.sem_alloc : memref<!tpu.dma_semaphore, #tpu.memory_space<semaphore_mem>>
        %dma_start3A = tpu.memref_slice %arg3[%add3A_27] : memref<330240xi32, #tpu.memory_space<hbm>> -> memref<80xi32, #tpu.memory_space<hbm>>
        %dma_start3A_1280 = tpu.memref_slice %arg3[%add3A_27] : memref<330240xi32, #tpu.memory_space<hbm>> -> memref<80xi32, #tpu.memory_space<hbm>>
        tpu.enqueue_dma source(%dma_start3A_1280 : memref<80xi32, #tpu.memory_space<hbm>>) target(%arg10 : memref<80xi32, #tpu.memory_space<vmem>>) target_semaphore(%run_scoped3A : memref<!tpu.dma_semaphore, #tpu.memory_space<semaphore_mem>>)
        %dma_wait3A = tpu.memref_slice %arg3[%add3A_27] : memref<330240xi32, #tpu.memory_space<hbm>> -> memref<80xi32, #tpu.memory_space<hbm>>
        %dma_wait3A_1281 = tpu.memref_slice %arg3[%add3A_27] : memref<330240xi32, #tpu.memory_space<hbm>> -> memref<80xi32, #tpu.memory_space<hbm>>
        tpu.wait_dma2 semaphore(%run_scoped3A : memref<!tpu.dma_semaphore, #tpu.memory_space<semaphore_mem>>) src(%dma_wait3A_1281 : memref<80xi32, #tpu.memory_space<hbm>>) dst(%arg10 : memref<80xi32, #tpu.memory_space<vmem>>)
        tpu.yield
      }) : () -> ()
      "tpu.region"() ({
        %run_scoped3A = tpu.sem_alloc : memref<!tpu.dma_semaphore, #tpu.memory_space<semaphore_mem>>
        %dma_start3A = tpu.memref_slice %arg4[%add3A_27] : memref<330240xf32, #tpu.memory_space<hbm>> -> memref<80xf32, #tpu.memory_space<hbm>>
        %dma_start3A_1280 = tpu.memref_slice %arg4[%add3A_27] : memref<330240xf32, #tpu.memory_space<hbm>> -> memref<80xf32, #tpu.memory_space<hbm>>
        tpu.enqueue_dma source(%dma_start3A_1280 : memref<80xf32, #tpu.memory_space<hbm>>) target(%arg11 : memref<80xf32, #tpu.memory_space<vmem>>) target_semaphore(%run_scoped3A : memref<!tpu.dma_semaphore, #tpu.memory_space<semaphore_mem>>)
        %dma_wait3A = tpu.memref_slice %arg4[%add3A_27] : memref<330240xf32, #tpu.memory_space<hbm>> -> memref<80xf32, #tpu.memory_space<hbm>>
        %dma_wait3A_1281 = tpu.memref_slice %arg4[%add3A_27] : memref<330240xf32, #tpu.memory_space<hbm>> -> memref<80xf32, #tpu.memory_space<hbm>>
        tpu.wait_dma2 semaphore(%run_scoped3A : memref<!tpu.dma_semaphore, #tpu.memory_space<semaphore_mem>>) src(%dma_wait3A_1281 : memref<80xf32, #tpu.memory_space<hbm>>) dst(%arg11 : memref<80xf32, #tpu.memory_space<vmem>>)
        tpu.yield
      }) : () -> ()
      "tpu.region"() ({
        %run_scoped3A = tpu.sem_alloc : memref<!tpu.dma_semaphore, #tpu.memory_space<semaphore_mem>>
        %dma_start3A = arith.constant 0 : i32
        %dma_start3A_1280 = arith.constant 0 : i32
        %dma_start3A_1281 = tpu.memref_slice %arg5[%dma_start3A, %dma_start3A_1280] : memref<10000x16xf32, #tpu.memory_space<hbm>> -> memref<10000x16xf32, #tpu.memory_space<hbm>>
        tpu.enqueue_indirect_dma source(%dma_start3A_1281 : memref<10000x16xf32, #tpu.memory_space<hbm>>) target(%arg12 : memref<80x16xf32, #tpu.memory_space<vmem>>) offsets(%arg9 : memref<80xi32, #tpu.memory_space<vmem>>) semaphore(%run_scoped3A : memref<!tpu.dma_semaphore, #tpu.memory_space<semaphore_mem>>)
        %dma_wait3A = arith.constant 0 : i32
        %dma_wait3A_1282 = arith.constant 0 : i32
        %dma_wait3A_1283 = tpu.memref_slice %arg5[%dma_wait3A, %dma_wait3A_1282] : memref<10000x16xf32, #tpu.memory_space<hbm>> -> memref<10000x16xf32, #tpu.memory_space<hbm>>
        tpu.wait_indirect_dma semaphore(%run_scoped3A : memref<!tpu.dma_semaphore, #tpu.memory_space<semaphore_mem>>) src(%dma_wait3A_1283 : memref<10000x16xf32, #tpu.memory_space<hbm>>) dst(%arg12 : memref<80x16xf32, #tpu.memory_space<vmem>>)
        tpu.yield
      }) : () -> ()
      "tpu.region"() ({
        %run_scoped3A = tpu.sem_alloc : memref<!tpu.dma_semaphore, #tpu.memory_space<semaphore_mem>>
        %dma_start3A = arith.constant 0 : i32
        %dma_start3A_1280 = tpu.memref_slice %arg6[%dma_start3A] : memref<10240xf32, #tpu.memory_space<hbm>> -> memref<10240xf32, #tpu.memory_space<hbm>>
        tpu.enqueue_indirect_dma source(%dma_start3A_1280 : memref<10240xf32, #tpu.memory_space<hbm>>) target(%arg13 : memref<80xf32, #tpu.memory_space<vmem>>) offsets(%arg9 : memref<80xi32, #tpu.memory_space<vmem>>) semaphore(%run_scoped3A : memref<!tpu.dma_semaphore, #tpu.memory_space<semaphore_mem>>)
        %dma_wait3A = arith.constant 0 : i32
        %dma_wait3A_1281 = tpu.memref_slice %arg6[%dma_wait3A] : memref<10240xf32, #tpu.memory_space<hbm>> -> memref<10240xf32, #tpu.memory_space<hbm>>
        tpu.wait_indirect_dma semaphore(%run_scoped3A : memref<!tpu.dma_semaphore, #tpu.memory_space<semaphore_mem>>) src(%dma_wait3A_1281 : memref<10240xf32, #tpu.memory_space<hbm>>) dst(%arg13 : memref<80xf32, #tpu.memory_space<vmem>>)
        tpu.yield
      }) : () -> ()
      "tpu.region"() ({
        %run_scoped3A = tpu.sem_alloc : memref<!tpu.dma_semaphore, #tpu.memory_space<semaphore_mem>>
        %dma_start3A = arith.constant 0 : i32
        %dma_start3A_1280 = tpu.memref_slice %arg6[%dma_start3A] : memref<10240xf32, #tpu.memory_space<hbm>> -> memref<10240xf32, #tpu.memory_space<hbm>>
        tpu.enqueue_indirect_dma source(%dma_start3A_1280 : memref<10240xf32, #tpu.memory_space<hbm>>) target(%arg14 : memref<80xf32, #tpu.memory_space<vmem>>) offsets(%arg10 : memref<80xi32, #tpu.memory_space<vmem>>) semaphore(%run_scoped3A : memref<!tpu.dma_semaphore, #tpu.memory_space<semaphore_mem>>)
        %dma_wait3A = arith.constant 0 : i32
        %dma_wait3A_1281 = tpu.memref_slice %arg6[%dma_wait3A] : memref<10240xf32, #tpu.memory_space<hbm>> -> memref<10240xf32, #tpu.memory_space<hbm>>
        tpu.wait_indirect_dma semaphore(%run_scoped3A : memref<!tpu.dma_semaphore, #tpu.memory_space<semaphore_mem>>) src(%dma_wait3A_1281 : memref<10240xf32, #tpu.memory_space<hbm>>) dst(%arg14 : memref<80xf32, #tpu.memory_space<vmem>>)
        tpu.yield
      }) : () -> ()
      %get3A = arith.constant 0 : index
      %get3A_28 = tpu.vector_load %arg13[%get3A] {strides = array<i32>} : memref<80xf32, #tpu.memory_space<vmem>>, vector<16xf32>,
      %get3A_29 = vector.shape_cast %get3A_28 : vector<16xf32> to vector<16xf32>
      %get3A_30 = arith.constant 0 : index
      %get3A_31 = tpu.vector_load %arg11[%get3A_30] {strides = array<i32>} : memref<80xf32, #tpu.memory_space<vmem>>, vector<16xf32>,
      %get3A_32 = vector.shape_cast %get3A_31 : vector<16xf32> to vector<16xf32>
      %mul3A_33 = arith.mulf %get3A_29, %get3A_32 : vector<16xf32>
      %get3A_34 = arith.constant 0 : index
      %get3A_35 = tpu.vector_load %arg14[%get3A_34] {strides = array<i32>} : memref<80xf32, #tpu.memory_space<vmem>>, vector<16xf32>,
      %get3A_36 = vector.shape_cast %get3A_35 : vector<16xf32> to vector<16xf32>
      %mul3A_37 = arith.mulf %mul3A_33, %get3A_36 : vector<16xf32>
      %get3A_38 = arith.constant 0 : i32
      %get3A_39 = arith.index_cast %get3A_38 : i32 to index
      %get3A_40 = arith.constant 0 : index
      %get3A_41 = tpu.vector_load %arg12[%get3A_39, %get3A_40] {strides = array<i32>} : memref<80x16xf32, #tpu.memory_space<vmem>>, vector<1x16xf32>,
      %get3A_42 = vector.shape_cast %get3A_41 : vector<1x16xf32> to vector<16xf32>
      %slice3A = vector.extract_strided_slice %mul3A_37 {offsets = [0], sizes = [1], strides = [1]} : vector<16xf32> to vector<1xf32>
      %squeeze3A = vector.extract %slice3A[0] : f32 from vector<1xf32>
      %mul3A_43 = vector.broadcast %squeeze3A : f32 to vector<16xf32>
      %mul3A_44 = arith.mulf %get3A_42, %mul3A_43 : vector<16xf32>
      %swap3A = arith.constant 0 : i32
      %swap3A_45 = arith.index_cast %swap3A : i32 to index
      %swap3A_46 = arith.constant 0 : index
      %swap3A_47 = tpu.vector_load %arg12[%swap3A_45, %swap3A_46] {strides = array<i32>} : memref<80x16xf32, #tpu.memory_space<vmem>>, vector<1x16xf32>,
      %swap3A_48 = vector.shape_cast %swap3A_47 : vector<1x16xf32> to vector<16xf32>
      %swap3A_49 = vector.shape_cast %mul3A_44 : vector<16xf32> to vector<1x16xf32>
      tpu.vector_store %arg12[%swap3A_45, %swap3A_46], %swap3A_49 {strides = array<i32>} : memref<80x16xf32, #tpu.memory_space<vmem>>, vector<1x16xf32>,
      %get3A_50 = arith.constant 1 : i32
      %get3A_51 = arith.index_cast %get3A_50 : i32 to index
      %get3A_52 = arith.constant 0 : index
      %get3A_53 = tpu.vector_load %arg12[%get3A_51, %get3A_52] {strides = array<i32>} : memref<80x16xf32, #tpu.memory_space<vmem>>, vector<1x16xf32>,
      %get3A_54 = vector.shape_cast %get3A_53 : vector<1x16xf32> to vector<16xf32>
      %slice3A_55 = vector.extract_strided_slice %mul3A_37 {offsets = [1], sizes = [1], strides = [1]} : vector<16xf32> to vector<1xf32>
      %squeeze3A_56 = vector.extract %slice3A_55[0] : f32 from vector<1xf32>
      %mul3A_57 = vector.broadcast %squeeze3A_56 : f32 to vector<16xf32>
      %mul3A_58 = arith.mulf %get3A_54, %mul3A_57 : vector<16xf32>
      %swap3A_59 = arith.constant 1 : i32
      %swap3A_60 = arith.index_cast %swap3A_59 : i32 to index
      %swap3A_61 = arith.constant 0 : index
      %swap3A_62 = tpu.vector_load %arg12[%swap3A_60, %swap3A_61] {strides = array<i32>} : memref<80x16xf32, #tpu.memory_space<vmem>>, vector<1x16xf32>,
      %swap3A_63 = vector.shape_cast %swap3A_62 : vector<1x16xf32> to vector<16xf32>
      %swap3A_64 = vector.shape_cast %mul3A_58 : vector<16xf32> to vector<1x16xf32>
      tpu.vector_store %arg12[%swap3A_60, %swap3A_61], %swap3A_64 {strides = array<i32>} : memref<80x16xf32, #tpu.memory_space<vmem>>, vector<1x16xf32>,
      %get3A_65 = arith.constant 2 : i32
      %get3A_66 = arith.index_cast %get3A_65 : i32 to index
      %get3A_67 = arith.constant 0 : index
      %get3A_68 = tpu.vector_load %arg12[%get3A_66, %get3A_67] {strides = array<i32>} : memref<80x16xf32, #tpu.memory_space<vmem>>, vector<1x16xf32>,
      %get3A_69 = vector.shape_cast %get3A_68 : vector<1x16xf32> to vector<16xf32>
      %slice3A_70 = vector.extract_strided_slice %mul3A_37 {offsets = [2], sizes = [1], strides = [1]} : vector<16xf32> to vector<1xf32>
      %squeeze3A_71 = vector.extract %slice3A_70[0] : f32 from vector<1xf32>
      %mul3A_72 = vector.broadcast %squeeze3A_71 : f32 to vector<16xf32>
      %mul3A_73 = arith.mulf %get3A_69, %mul3A_72 : vector<16xf32>
      %swap3A_74 = arith.constant 2 : i32
      %swap3A_75 = arith.index_cast %swap3A_74 : i32 to index
      %swap3A_76 = arith.constant 0 : index
      %swap3A_77 = tpu.vector_load %arg12[%swap3A_75, %swap3A_76] {strides = array<i32>} : memref<80x16xf32, #tpu.memory_space<vmem>>, vector<1x16xf32>,
      %swap3A_78 = vector.shape_cast %swap3A_77 : vector<1x16xf32> to vector<16xf32>
      %swap3A_79 = vector.shape_cast %mul3A_73 : vector<16xf32> to vector<1x16xf32>
      tpu.vector_store %arg12[%swap3A_75, %swap3A_76], %swap3A_79 {strides = array<i32>} : memref<80x16xf32, #tpu.memory_space<vmem>>, vector<1x16xf32>,
      %get3A_80 = arith.constant 3 : i32
      %get3A_81 = arith.index_cast %get3A_80 : i32 to index
      %get3A_82 = arith.constant 0 : index
      %get3A_83 = tpu.vector_load %arg12[%get3A_81, %get3A_82] {strides = array<i32>} : memref<80x16xf32, #tpu.memory_space<vmem>>, vector<1x16xf32>,
      %get3A_84 = vector.shape_cast %get3A_83 : vector<1x16xf32> to vector<16xf32>
      %slice3A_85 = vector.extract_strided_slice %mul3A_37 {offsets = [3], sizes = [1], strides = [1]} : vector<16xf32> to vector<1xf32>
      %squeeze3A_86 = vector.extract %slice3A_85[0] : f32 from vector<1xf32>
      %mul3A_87 = vector.broadcast %squeeze3A_86 : f32 to vector<16xf32>
      %mul3A_88 = arith.mulf %get3A_84, %mul3A_87 : vector<16xf32>
      %swap3A_89 = arith.constant 3 : i32
      %swap3A_90 = arith.index_cast %swap3A_89 : i32 to index
      %swap3A_91 = arith.constant 0 : index
      %swap3A_92 = tpu.vector_load %arg12[%swap3A_90, %swap3A_91] {strides = array<i32>} : memref<80x16xf32, #tpu.memory_space<vmem>>, vector<1x16xf32>,
      %swap3A_93 = vector.shape_cast %swap3A_92 : vector<1x16xf32> to vector<16xf32>
      %swap3A_94 = vector.shape_cast %mul3A_88 : vector<16xf32> to vector<1x16xf32>
      tpu.vector_store %arg12[%swap3A_90, %swap3A_91], %swap3A_94 {strides = array<i32>} : memref<80x16xf32, #tpu.memory_space<vmem>>, vector<1x16xf32>,
      %get3A_95 = arith.constant 4 : i32
      %get3A_96 = arith.index_cast %get3A_95 : i32 to index
      %get3A_97 = arith.constant 0 : index
      %get3A_98 = tpu.vector_load %arg12[%get3A_96, %get3A_97] {strides = array<i32>} : memref<80x16xf32, #tpu.memory_space<vmem>>, vector<1x16xf32>,
      %get3A_99 = vector.shape_cast %get3A_98 : vector<1x16xf32> to vector<16xf32>
      %slice3A_100 = vector.extract_strided_slice %mul3A_37 {offsets = [4], sizes = [1], strides = [1]} : vector<16xf32> to vector<1xf32>
      %squeeze3A_101 = vector.extract %slice3A_100[0] : f32 from vector<1xf32>
      %mul3A_102 = vector.broadcast %squeeze3A_101 : f32 to vector<16xf32>
      %mul3A_103 = arith.mulf %get3A_99, %mul3A_102 : vector<16xf32>
      %swap3A_104 = arith.constant 4 : i32
      %swap3A_105 = arith.index_cast %swap3A_104 : i32 to index
      %swap3A_106 = arith.constant 0 : index
      %swap3A_107 = tpu.vector_load %arg12[%swap3A_105, %swap3A_106] {strides = array<i32>} : memref<80x16xf32, #tpu.memory_space<vmem>>, vector<1x16xf32>,
      %swap3A_108 = vector.shape_cast %swap3A_107 : vector<1x16xf32> to vector<16xf32>
      %swap3A_109 = vector.shape_cast %mul3A_103 : vector<16xf32> to vector<1x16xf32>
      tpu.vector_store %arg12[%swap3A_105, %swap3A_106], %swap3A_109 {strides = array<i32>} : memref<80x16xf32, #tpu.memory_space<vmem>>, vector<1x16xf32>,
      %get3A_110 = arith.constant 5 : i32
      %get3A_111 = arith.index_cast %get3A_110 : i32 to index
      %get3A_112 = arith.constant 0 : index
      %get3A_113 = tpu.vector_load %arg12[%get3A_111, %get3A_112] {strides = array<i32>} : memref<80x16xf32, #tpu.memory_space<vmem>>, vector<1x16xf32>,
      %get3A_114 = vector.shape_cast %get3A_113 : vector<1x16xf32> to vector<16xf32>
      %slice3A_115 = vector.extract_strided_slice %mul3A_37 {offsets = [5], sizes = [1], strides = [1]} : vector<16xf32> to vector<1xf32>
      %squeeze3A_116 = vector.extract %slice3A_115[0] : f32 from vector<1xf32>
      %mul3A_117 = vector.broadcast %squeeze3A_116 : f32 to vector<16xf32>
      %mul3A_118 = arith.mulf %get3A_114, %mul3A_117 : vector<16xf32>
      %swap3A_119 = arith.constant 5 : i32
      %swap3A_120 = arith.index_cast %swap3A_119 : i32 to index
      %swap3A_121 = arith.constant 0 : index
      %swap3A_122 = tpu.vector_load %arg12[%swap3A_120, %swap3A_121] {strides = array<i32>} : memref<80x16xf32, #tpu.memory_space<vmem>>, vector<1x16xf32>,
      %swap3A_123 = vector.shape_cast %swap3A_122 : vector<1x16xf32> to vector<16xf32>
      %swap3A_124 = vector.shape_cast %mul3A_118 : vector<16xf32> to vector<1x16xf32>
      tpu.vector_store %arg12[%swap3A_120, %swap3A_121], %swap3A_124 {strides = array<i32>} : memref<80x16xf32, #tpu.memory_space<vmem>>, vector<1x16xf32>,
      %get3A_125 = arith.constant 6 : i32
      %get3A_126 = arith.index_cast %get3A_125 : i32 to index
      %get3A_127 = arith.constant 0 : index
      %get3A_128 = tpu.vector_load %arg12[%get3A_126, %get3A_127] {strides = array<i32>} : memref<80x16xf32, #tpu.memory_space<vmem>>, vector<1x16xf32>,
      %get3A_129 = vector.shape_cast %get3A_128 : vector<1x16xf32> to vector<16xf32>
      %slice3A_130 = vector.extract_strided_slice %mul3A_37 {offsets = [6], sizes = [1], strides = [1]} : vector<16xf32> to vector<1xf32>
      %squeeze3A_131 = vector.extract %slice3A_130[0] : f32 from vector<1xf32>
      %mul3A_132 = vector.broadcast %squeeze3A_131 : f32 to vector<16xf32>
      %mul3A_133 = arith.mulf %get3A_129, %mul3A_132 : vector<16xf32>
      %swap3A_134 = arith.constant 6 : i32
      %swap3A_135 = arith.index_cast %swap3A_134 : i32 to index
      %swap3A_136 = arith.constant 0 : index
      %swap3A_137 = tpu.vector_load %arg12[%swap3A_135, %swap3A_136] {strides = array<i32>} : memref<80x16xf32, #tpu.memory_space<vmem>>, vector<1x16xf32>,
      %swap3A_138 = vector.shape_cast %swap3A_137 : vector<1x16xf32> to vector<16xf32>
      %swap3A_139 = vector.shape_cast %mul3A_133 : vector<16xf32> to vector<1x16xf32>
      tpu.vector_store %arg12[%swap3A_135, %swap3A_136], %swap3A_139 {strides = array<i32>} : memref<80x16xf32, #tpu.memory_space<vmem>>, vector<1x16xf32>,
      %get3A_140 = arith.constant 7 : i32
      %get3A_141 = arith.index_cast %get3A_140 : i32 to index
      %get3A_142 = arith.constant 0 : index
      %get3A_143 = tpu.vector_load %arg12[%get3A_141, %get3A_142] {strides = array<i32>} : memref<80x16xf32, #tpu.memory_space<vmem>>, vector<1x16xf32>,
      %get3A_144 = vector.shape_cast %get3A_143 : vector<1x16xf32> to vector<16xf32>
      %slice3A_145 = vector.extract_strided_slice %mul3A_37 {offsets = [7], sizes = [1], strides = [1]} : vector<16xf32> to vector<1xf32>
      %squeeze3A_146 = vector.extract %slice3A_145[0] : f32 from vector<1xf32>
      %mul3A_147 = vector.broadcast %squeeze3A_146 : f32 to vector<16xf32>
      %mul3A_148 = arith.mulf %get3A_144, %mul3A_147 : vector<16xf32>
      %swap3A_149 = arith.constant 7 : i32
      %swap3A_150 = arith.index_cast %swap3A_149 : i32 to index
      %swap3A_151 = arith.constant 0 : index
      %swap3A_152 = tpu.vector_load %arg12[%swap3A_150, %swap3A_151] {strides = array<i32>} : memref<80x16xf32, #tpu.memory_space<vmem>>, vector<1x16xf32>,
      %swap3A_153 = vector.shape_cast %swap3A_152 : vector<1x16xf32> to vector<16xf32>
      %swap3A_154 = vector.shape_cast %mul3A_148 : vector<16xf32> to vector<1x16xf32>
      tpu.vector_store %arg12[%swap3A_150, %swap3A_151], %swap3A_154 {strides = array<i32>} : memref<80x16xf32, #tpu.memory_space<vmem>>, vector<1x16xf32>,
      %get3A_155 = arith.constant 8 : i32
      %get3A_156 = arith.index_cast %get3A_155 : i32 to index
      %get3A_157 = arith.constant 0 : index
      %get3A_158 = tpu.vector_load %arg12[%get3A_156, %get3A_157] {strides = array<i32>} : memref<80x16xf32, #tpu.memory_space<vmem>>, vector<1x16xf32>,
      %get3A_159 = vector.shape_cast %get3A_158 : vector<1x16xf32> to vector<16xf32>
      %slice3A_160 = vector.extract_strided_slice %mul3A_37 {offsets = [8], sizes = [1], strides = [1]} : vector<16xf32> to vector<1xf32>
      %squeeze3A_161 = vector.extract %slice3A_160[0] : f32 from vector<1xf32>
      %mul3A_162 = vector.broadcast %squeeze3A_161 : f32 to vector<16xf32>
      %mul3A_163 = arith.mulf %get3A_159, %mul3A_162 : vector<16xf32>
      %swap3A_164 = arith.constant 8 : i32
      %swap3A_165 = arith.index_cast %swap3A_164 : i32 to index
      %swap3A_166 = arith.constant 0 : index
      %swap3A_167 = tpu.vector_load %arg12[%swap3A_165, %swap3A_166] {strides = array<i32>} : memref<80x16xf32, #tpu.memory_space<vmem>>, vector<1x16xf32>,
      %swap3A_168 = vector.shape_cast %swap3A_167 : vector<1x16xf32> to vector<16xf32>
      %swap3A_169 = vector.shape_cast %mul3A_163 : vector<16xf32> to vector<1x16xf32>
      tpu.vector_store %arg12[%swap3A_165, %swap3A_166], %swap3A_169 {strides = array<i32>} : memref<80x16xf32, #tpu.memory_space<vmem>>, vector<1x16xf32>,
      %get3A_170 = arith.constant 9 : i32
      %get3A_171 = arith.index_cast %get3A_170 : i32 to index
      %get3A_172 = arith.constant 0 : index
      %get3A_173 = tpu.vector_load %arg12[%get3A_171, %get3A_172] {strides = array<i32>} : memref<80x16xf32, #tpu.memory_space<vmem>>, vector<1x16xf32>,
      %get3A_174 = vector.shape_cast %get3A_173 : vector<1x16xf32> to vector<16xf32>
      %slice3A_175 = vector.extract_strided_slice %mul3A_37 {offsets = [9], sizes = [1], strides = [1]} : vector<16xf32> to vector<1xf32>
      %squeeze3A_176 = vector.extract %slice3A_175[0] : f32 from vector<1xf32>
      %mul3A_177 = vector.broadcast %squeeze3A_176 : f32 to vector<16xf32>
      %mul3A_178 = arith.mulf %get3A_174, %mul3A_177 : vector<16xf32>
      %swap3A_179 = arith.constant 9 : i32
      %swap3A_180 = arith.index_cast %swap3A_179 : i32 to index
      %swap3A_181 = arith.constant 0 : index
      %swap3A_182 = tpu.vector_load %arg12[%swap3A_180, %swap3A_181] {strides = array<i32>} : memref<80x16xf32, #tpu.memory_space<vmem>>, vector<1x16xf32>,
      %swap3A_183 = vector.shape_cast %swap3A_182 : vector<1x16xf32> to vector<16xf32>
      %swap3A_184 = vector.shape_cast %mul3A_178 : vector<16xf32> to vector<1x16xf32>
      tpu.vector_store %arg12[%swap3A_180, %swap3A_181], %swap3A_184 {strides = array<i32>} : memref<80x16xf32, #tpu.memory_space<vmem>>, vector<1x16xf32>,
      %get3A_185 = arith.constant 10 : i32
      %get3A_186 = arith.index_cast %get3A_185 : i32 to index
      %get3A_187 = arith.constant 0 : index
      %get3A_188 = tpu.vector_load %arg12[%get3A_186, %get3A_187] {strides = array<i32>} : memref<80x16xf32, #tpu.memory_space<vmem>>, vector<1x16xf32>,
      %get3A_189 = vector.shape_cast %get3A_188 : vector<1x16xf32> to vector<16xf32>
      %slice3A_190 = vector.extract_strided_slice %mul3A_37 {offsets = [10], sizes = [1], strides = [1]} : vector<16xf32> to vector<1xf32>
      %squeeze3A_191 = vector.extract %slice3A_190[0] : f32 from vector<1xf32>
      %mul3A_192 = vector.broadcast %squeeze3A_191 : f32 to vector<16xf32>
      %mul3A_193 = arith.mulf %get3A_189, %mul3A_192 : vector<16xf32>
      %swap3A_194 = arith.constant 10 : i32
      %swap3A_195 = arith.index_cast %swap3A_194 : i32 to index
      %swap3A_196 = arith.constant 0 : index
      %swap3A_197 = tpu.vector_load %arg12[%swap3A_195, %swap3A_196] {strides = array<i32>} : memref<80x16xf32, #tpu.memory_space<vmem>>, vector<1x16xf32>,
      %swap3A_198 = vector.shape_cast %swap3A_197 : vector<1x16xf32> to vector<16xf32>
      %swap3A_199 = vector.shape_cast %mul3A_193 : vector<16xf32> to vector<1x16xf32>
      tpu.vector_store %arg12[%swap3A_195, %swap3A_196], %swap3A_199 {strides = array<i32>} : memref<80x16xf32, #tpu.memory_space<vmem>>, vector<1x16xf32>,
      %get3A_200 = arith.constant 11 : i32
      %get3A_201 = arith.index_cast %get3A_200 : i32 to index
      %get3A_202 = arith.constant 0 : index
      %get3A_203 = tpu.vector_load %arg12[%get3A_201, %get3A_202] {strides = array<i32>} : memref<80x16xf32, #tpu.memory_space<vmem>>, vector<1x16xf32>,
      %get3A_204 = vector.shape_cast %get3A_203 : vector<1x16xf32> to vector<16xf32>
      %slice3A_205 = vector.extract_strided_slice %mul3A_37 {offsets = [11], sizes = [1], strides = [1]} : vector<16xf32> to vector<1xf32>
      %squeeze3A_206 = vector.extract %slice3A_205[0] : f32 from vector<1xf32>
      %mul3A_207 = vector.broadcast %squeeze3A_206 : f32 to vector<16xf32>
      %mul3A_208 = arith.mulf %get3A_204, %mul3A_207 : vector<16xf32>
      %swap3A_209 = arith.constant 11 : i32
      %swap3A_210 = arith.index_cast %swap3A_209 : i32 to index
      %swap3A_211 = arith.constant 0 : index
      %swap3A_212 = tpu.vector_load %arg12[%swap3A_210, %swap3A_211] {strides = array<i32>} : memref<80x16xf32, #tpu.memory_space<vmem>>, vector<1x16xf32>,
      %swap3A_213 = vector.shape_cast %swap3A_212 : vector<1x16xf32> to vector<16xf32>
      %swap3A_214 = vector.shape_cast %mul3A_208 : vector<16xf32> to vector<1x16xf32>
      tpu.vector_store %arg12[%swap3A_210, %swap3A_211], %swap3A_214 {strides = array<i32>} : memref<80x16xf32, #tpu.memory_space<vmem>>, vector<1x16xf32>,
      %get3A_215 = arith.constant 12 : i32
      %get3A_216 = arith.index_cast %get3A_215 : i32 to index
      %get3A_217 = arith.constant 0 : index
      %get3A_218 = tpu.vector_load %arg12[%get3A_216, %get3A_217] {strides = array<i32>} : memref<80x16xf32, #tpu.memory_space<vmem>>, vector<1x16xf32>,
      %get3A_219 = vector.shape_cast %get3A_218 : vector<1x16xf32> to vector<16xf32>
      %slice3A_220 = vector.extract_strided_slice %mul3A_37 {offsets = [12], sizes = [1], strides = [1]} : vector<16xf32> to vector<1xf32>
      %squeeze3A_221 = vector.extract %slice3A_220[0] : f32 from vector<1xf32>
      %mul3A_222 = vector.broadcast %squeeze3A_221 : f32 to vector<16xf32>
      %mul3A_223 = arith.mulf %get3A_219, %mul3A_222 : vector<16xf32>
      %swap3A_224 = arith.constant 12 : i32
      %swap3A_225 = arith.index_cast %swap3A_224 : i32 to index
      %swap3A_226 = arith.constant 0 : index
      %swap3A_227 = tpu.vector_load %arg12[%swap3A_225, %swap3A_226] {strides = array<i32>} : memref<80x16xf32, #tpu.memory_space<vmem>>, vector<1x16xf32>,
      %swap3A_228 = vector.shape_cast %swap3A_227 : vector<1x16xf32> to vector<16xf32>
      %swap3A_229 = vector.shape_cast %mul3A_223 : vector<16xf32> to vector<1x16xf32>
      tpu.vector_store %arg12[%swap3A_225, %swap3A_226], %swap3A_229 {strides = array<i32>} : memref<80x16xf32, #tpu.memory_space<vmem>>, vector<1x16xf32>,
      %get3A_230 = arith.constant 13 : i32
      %get3A_231 = arith.index_cast %get3A_230 : i32 to index
      %get3A_232 = arith.constant 0 : index
      %get3A_233 = tpu.vector_load %arg12[%get3A_231, %get3A_232] {strides = array<i32>} : memref<80x16xf32, #tpu.memory_space<vmem>>, vector<1x16xf32>,
      %get3A_234 = vector.shape_cast %get3A_233 : vector<1x16xf32> to vector<16xf32>
      %slice3A_235 = vector.extract_strided_slice %mul3A_37 {offsets = [13], sizes = [1], strides = [1]} : vector<16xf32> to vector<1xf32>
      %squeeze3A_236 = vector.extract %slice3A_235[0] : f32 from vector<1xf32>
      %mul3A_237 = vector.broadcast %squeeze3A_236 : f32 to vector<16xf32>
      %mul3A_238 = arith.mulf %get3A_234, %mul3A_237 : vector<16xf32>
      %swap3A_239 = arith.constant 13 : i32
      %swap3A_240 = arith.index_cast %swap3A_239 : i32 to index
      %swap3A_241 = arith.constant 0 : index
      %swap3A_242 = tpu.vector_load %arg12[%swap3A_240, %swap3A_241] {strides = array<i32>} : memref<80x16xf32, #tpu.memory_space<vmem>>, vector<1x16xf32>,
      %swap3A_243 = vector.shape_cast %swap3A_242 : vector<1x16xf32> to vector<16xf32>
      %swap3A_244 = vector.shape_cast %mul3A_238 : vector<16xf32> to vector<1x16xf32>
      tpu.vector_store %arg12[%swap3A_240, %swap3A_241], %swap3A_244 {strides = array<i32>} : memref<80x16xf32, #tpu.memory_space<vmem>>, vector<1x16xf32>,
      %get3A_245 = arith.constant 14 : i32
      %get3A_246 = arith.index_cast %get3A_245 : i32 to index
      %get3A_247 = arith.constant 0 : index
      %get3A_248 = tpu.vector_load %arg12[%get3A_246, %get3A_247] {strides = array<i32>} : memref<80x16xf32, #tpu.memory_space<vmem>>, vector<1x16xf32>,
      %get3A_249 = vector.shape_cast %get3A_248 : vector<1x16xf32> to vector<16xf32>
      %slice3A_250 = vector.extract_strided_slice %mul3A_37 {offsets = [14], sizes = [1], strides = [1]} : vector<16xf32> to vector<1xf32>
      %squeeze3A_251 = vector.extract %slice3A_250[0] : f32 from vector<1xf32>
      %mul3A_252 = vector.broadcast %squeeze3A_251 : f32 to vector<16xf32>
      %mul3A_253 = arith.mulf %get3A_249, %mul3A_252 : vector<16xf32>
      %swap3A_254 = arith.constant 14 : i32
      %swap3A_255 = arith.index_cast %swap3A_254 : i32 to index
      %swap3A_256 = arith.constant 0 : index
      %swap3A_257 = tpu.vector_load %arg12[%swap3A_255, %swap3A_256] {strides = array<i32>} : memref<80x16xf32, #tpu.memory_space<vmem>>, vector<1x16xf32>,
      %swap3A_258 = vector.shape_cast %swap3A_257 : vector<1x16xf32> to vector<16xf32>
      %swap3A_259 = vector.shape_cast %mul3A_253 : vector<16xf32> to vector<1x16xf32>
      tpu.vector_store %arg12[%swap3A_255, %swap3A_256], %swap3A_259 {strides = array<i32>} : memref<80x16xf32, #tpu.memory_space<vmem>>, vector<1x16xf32>,
      %get3A_260 = arith.constant 15 : i32
      %get3A_261 = arith.index_cast %get3A_260 : i32 to index
      %get3A_262 = arith.constant 0 : index
      %get3A_263 = tpu.vector_load %arg12[%get3A_261, %get3A_262] {strides = array<i32>} : memref<80x16xf32, #tpu.memory_space<vmem>>, vector<1x16xf32>,
      %get3A_264 = vector.shape_cast %get3A_263 : vector<1x16xf32> to vector<16xf32>
      %slice3A_265 = vector.extract_strided_slice %mul3A_37 {offsets = [15], sizes = [1], strides = [1]} : vector<16xf32> to vector<1xf32>
      %squeeze3A_266 = vector.extract %slice3A_265[0] : f32 from vector<1xf32>
      %mul3A_267 = vector.broadcast %squeeze3A_266 : f32 to vector<16xf32>
      %mul3A_268 = arith.mulf %get3A_264, %mul3A_267 : vector<16xf32>
      %swap3A_269 = arith.constant 15 : i32
      %swap3A_270 = arith.index_cast %swap3A_269 : i32 to index
      %swap3A_271 = arith.constant 0 : index
      %swap3A_272 = tpu.vector_load %arg12[%swap3A_270, %swap3A_271] {strides = array<i32>} : memref<80x16xf32, #tpu.memory_space<vmem>>, vector<1x16xf32>,
      %swap3A_273 = vector.shape_cast %swap3A_272 : vector<1x16xf32> to vector<16xf32>
      %swap3A_274 = vector.shape_cast %mul3A_268 : vector<16xf32> to vector<1x16xf32>
      tpu.vector_store %arg12[%swap3A_270, %swap3A_271], %swap3A_274 {strides = array<i32>} : memref<80x16xf32, #tpu.memory_space<vmem>>, vector<1x16xf32>,
      %get3A_275 = arith.constant 16 : index
      %get3A_276 = tpu.vector_load %arg13[%get3A_275] {strides = array<i32>} : memref<80xf32, #tpu.memory_space<vmem>>, vector<16xf32>,
      %get3A_277 = vector.shape_cast %get3A_276 : vector<16xf32> to vector<16xf32>
      %get3A_278 = arith.constant 16 : index
      %get3A_279 = tpu.vector_load %arg11[%get3A_278] {strides = array<i32>} : memref<80xf32, #tpu.memory_space<vmem>>, vector<16xf32>,
      %get3A_280 = vector.shape_cast %get3A_279 : vector<16xf32> to vector<16xf32>
      %mul3A_281 = arith.mulf %get3A_277, %get3A_280 : vector<16xf32>
      %get3A_282 = arith.constant 16 : index
      %get3A_283 = tpu.vector_load %arg14[%get3A_282] {strides = array<i32>} : memref<80xf32, #tpu.memory_space<vmem>>, vector<16xf32>,
      %get3A_284 = vector.shape_cast %get3A_283 : vector<16xf32> to vector<16xf32>
      %mul3A_285 = arith.mulf %mul3A_281, %get3A_284 : vector<16xf32>
      %get3A_286 = arith.constant 16 : i32
      %get3A_287 = arith.index_cast %get3A_286 : i32 to index
      %get3A_288 = arith.constant 0 : index
      %get3A_289 = tpu.vector_load %arg12[%get3A_287, %get3A_288] {strides = array<i32>} : memref<80x16xf32, #tpu.memory_space<vmem>>, vector<1x16xf32>,
      %get3A_290 = vector.shape_cast %get3A_289 : vector<1x16xf32> to vector<16xf32>
      %slice3A_291 = vector.extract_strided_slice %mul3A_285 {offsets = [0], sizes = [1], strides = [1]} : vector<16xf32> to vector<1xf32>
      %squeeze3A_292 = vector.extract %slice3A_291[0] : f32 from vector<1xf32>
      %mul3A_293 = vector.broadcast %squeeze3A_292 : f32 to vector<16xf32>
      %mul3A_294 = arith.mulf %get3A_290, %mul3A_293 : vector<16xf32>
      %swap3A_295 = arith.constant 16 : i32
      %swap3A_296 = arith.index_cast %swap3A_295 : i32 to index
      %swap3A_297 = arith.constant 0 : index
      %swap3A_298 = tpu.vector_load %arg12[%swap3A_296, %swap3A_297] {strides = array<i32>} : memref<80x16xf32, #tpu.memory_space<vmem>>, vector<1x16xf32>,
      %swap3A_299 = vector.shape_cast %swap3A_298 : vector<1x16xf32> to vector<16xf32>
      %swap3A_300 = vector.shape_cast %mul3A_294 : vector<16xf32> to vector<1x16xf32>
      tpu.vector_store %arg12[%swap3A_296, %swap3A_297], %swap3A_300 {strides = array<i32>} : memref<80x16xf32, #tpu.memory_space<vmem>>, vector<1x16xf32>,
      %get3A_301 = arith.constant 17 : i32
      %get3A_302 = arith.index_cast %get3A_301 : i32 to index
      %get3A_303 = arith.constant 0 : index
      %get3A_304 = tpu.vector_load %arg12[%get3A_302, %get3A_303] {strides = array<i32>} : memref<80x16xf32, #tpu.memory_space<vmem>>, vector<1x16xf32>,
      %get3A_305 = vector.shape_cast %get3A_304 : vector<1x16xf32> to vector<16xf32>
      %slice3A_306 = vector.extract_strided_slice %mul3A_285 {offsets = [1], sizes = [1], strides = [1]} : vector<16xf32> to vector<1xf32>
      %squeeze3A_307 = vector.extract %slice3A_306[0] : f32 from vector<1xf32>
      %mul3A_308 = vector.broadcast %squeeze3A_307 : f32 to vector<16xf32>
      %mul3A_309 = arith.mulf %get3A_305, %mul3A_308 : vector<16xf32>
      %swap3A_310 = arith.constant 17 : i32
      %swap3A_311 = arith.index_cast %swap3A_310 : i32 to index
      %swap3A_312 = arith.constant 0 : index
      %swap3A_313 = tpu.vector_load %arg12[%swap3A_311, %swap3A_312] {strides = array<i32>} : memref<80x16xf32, #tpu.memory_space<vmem>>, vector<1x16xf32>,
      %swap3A_314 = vector.shape_cast %swap3A_313 : vector<1x16xf32> to vector<16xf32>
      %swap3A_315 = vector.shape_cast %mul3A_309 : vector<16xf32> to vector<1x16xf32>
      tpu.vector_store %arg12[%swap3A_311, %swap3A_312], %swap3A_315 {strides = array<i32>} : memref<80x16xf32, #tpu.memory_space<vmem>>, vector<1x16xf32>,
      %get3A_316 = arith.constant 18 : i32
      %get3A_317 = arith.index_cast %get3A_316 : i32 to index
      %get3A_318 = arith.constant 0 : index
      %get3A_319 = tpu.vector_load %arg12[%get3A_317, %get3A_318] {strides = array<i32>} : memref<80x16xf32, #tpu.memory_space<vmem>>, vector<1x16xf32>,
      %get3A_320 = vector.shape_cast %get3A_319 : vector<1x16xf32> to vector<16xf32>
      %slice3A_321 = vector.extract_strided_slice %mul3A_285 {offsets = [2], sizes = [1], strides = [1]} : vector<16xf32> to vector<1xf32>
      %squeeze3A_322 = vector.extract %slice3A_321[0] : f32 from vector<1xf32>
      %mul3A_323 = vector.broadcast %squeeze3A_322 : f32 to vector<16xf32>
      %mul3A_324 = arith.mulf %get3A_320, %mul3A_323 : vector<16xf32>
      %swap3A_325 = arith.constant 18 : i32
      %swap3A_326 = arith.index_cast %swap3A_325 : i32 to index
      %swap3A_327 = arith.constant 0 : index
      %swap3A_328 = tpu.vector_load %arg12[%swap3A_326, %swap3A_327] {strides = array<i32>} : memref<80x16xf32, #tpu.memory_space<vmem>>, vector<1x16xf32>,
      %swap3A_329 = vector.shape_cast %swap3A_328 : vector<1x16xf32> to vector<16xf32>
      %swap3A_330 = vector.shape_cast %mul3A_324 : vector<16xf32> to vector<1x16xf32>
      tpu.vector_store %arg12[%swap3A_326, %swap3A_327], %swap3A_330 {strides = array<i32>} : memref<80x16xf32, #tpu.memory_space<vmem>>, vector<1x16xf32>,
      %get3A_331 = arith.constant 19 : i32
      %get3A_332 = arith.index_cast %get3A_331 : i32 to index
      %get3A_333 = arith.constant 0 : index
      %get3A_334 = tpu.vector_load %arg12[%get3A_332, %get3A_333] {strides = array<i32>} : memref<80x16xf32, #tpu.memory_space<vmem>>, vector<1x16xf32>,
      %get3A_335 = vector.shape_cast %get3A_334 : vector<1x16xf32> to vector<16xf32>
      %slice3A_336 = vector.extract_strided_slice %mul3A_285 {offsets = [3], sizes = [1], strides = [1]} : vector<16xf32> to vector<1xf32>
      %squeeze3A_337 = vector.extract %slice3A_336[0] : f32 from vector<1xf32>
      %mul3A_338 = vector.broadcast %squeeze3A_337 : f32 to vector<16xf32>
      %mul3A_339 = arith.mulf %get3A_335, %mul3A_338 : vector<16xf32>
      %swap3A_340 = arith.constant 19 : i32
      %swap3A_341 = arith.index_cast %swap3A_340 : i32 to index
      %swap3A_342 = arith.constant 0 : index
      %swap3A_343 = tpu.vector_load %arg12[%swap3A_341, %swap3A_342] {strides = array<i32>} : memref<80x16xf32, #tpu.memory_space<vmem>>, vector<1x16xf32>,
      %swap3A_344 = vector.shape_cast %swap3A_343 : vector<1x16xf32> to vector<16xf32>
      %swap3A_345 = vector.shape_cast %mul3A_339 : vector<16xf32> to vector<1x16xf32>
      tpu.vector_store %arg12[%swap3A_341, %swap3A_342], %swap3A_345 {strides = array<i32>} : memref<80x16xf32, #tpu.memory_space<vmem>>, vector<1x16xf32>,
      %get3A_346 = arith.constant 20 : i32
      %get3A_347 = arith.index_cast %get3A_346 : i32 to index
      %get3A_348 = arith.constant 0 : index
      %get3A_349 = tpu.vector_load %arg12[%get3A_347, %get3A_348] {strides = array<i32>} : memref<80x16xf32, #tpu.memory_space<vmem>>, vector<1x16xf32>,
      %get3A_350 = vector.shape_cast %get3A_349 : vector<1x16xf32> to vector<16xf32>
      %slice3A_351 = vector.extract_strided_slice %mul3A_285 {offsets = [4], sizes = [1], strides = [1]} : vector<16xf32> to vector<1xf32>
      %squeeze3A_352 = vector.extract %slice3A_351[0] : f32 from vector<1xf32>
      %mul3A_353 = vector.broadcast %squeeze3A_352 : f32 to vector<16xf32>
      %mul3A_354 = arith.mulf %get3A_350, %mul3A_353 : vector<16xf32>
      %swap3A_355 = arith.constant 20 : i32
      %swap3A_356 = arith.index_cast %swap3A_355 : i32 to index
      %swap3A_357 = arith.constant 0 : index
      %swap3A_358 = tpu.vector_load %arg12[%swap3A_356, %swap3A_357] {strides = array<i32>} : memref<80x16xf32, #tpu.memory_space<vmem>>, vector<1x16xf32>,
      %swap3A_359 = vector.shape_cast %swap3A_358 : vector<1x16xf32> to vector<16xf32>
      %swap3A_360 = vector.shape_cast %mul3A_354 : vector<16xf32> to vector<1x16xf32>
      tpu.vector_store %arg12[%swap3A_356, %swap3A_357], %swap3A_360 {strides = array<i32>} : memref<80x16xf32, #tpu.memory_space<vmem>>, vector<1x16xf32>,
      %get3A_361 = arith.constant 21 : i32
      %get3A_362 = arith.index_cast %get3A_361 : i32 to index
      %get3A_363 = arith.constant 0 : index
      %get3A_364 = tpu.vector_load %arg12[%get3A_362, %get3A_363] {strides = array<i32>} : memref<80x16xf32, #tpu.memory_space<vmem>>, vector<1x16xf32>,
      %get3A_365 = vector.shape_cast %get3A_364 : vector<1x16xf32> to vector<16xf32>
      %slice3A_366 = vector.extract_strided_slice %mul3A_285 {offsets = [5], sizes = [1], strides = [1]} : vector<16xf32> to vector<1xf32>
      %squeeze3A_367 = vector.extract %slice3A_366[0] : f32 from vector<1xf32>
      %mul3A_368 = vector.broadcast %squeeze3A_367 : f32 to vector<16xf32>
      %mul3A_369 = arith.mulf %get3A_365, %mul3A_368 : vector<16xf32>
      %swap3A_370 = arith.constant 21 : i32
      %swap3A_371 = arith.index_cast %swap3A_370 : i32 to index
      %swap3A_372 = arith.constant 0 : index
      %swap3A_373 = tpu.vector_load %arg12[%swap3A_371, %swap3A_372] {strides = array<i32>} : memref<80x16xf32, #tpu.memory_space<vmem>>, vector<1x16xf32>,
      %swap3A_374 = vector.shape_cast %swap3A_373 : vector<1x16xf32> to vector<16xf32>
      %swap3A_375 = vector.shape_cast %mul3A_369 : vector<16xf32> to vector<1x16xf32>
      tpu.vector_store %arg12[%swap3A_371, %swap3A_372], %swap3A_375 {strides = array<i32>} : memref<80x16xf32, #tpu.memory_space<vmem>>, vector<1x16xf32>,
      %get3A_376 = arith.constant 22 : i32
      %get3A_377 = arith.index_cast %get3A_376 : i32 to index
      %get3A_378 = arith.constant 0 : index
      %get3A_379 = tpu.vector_load %arg12[%get3A_377, %get3A_378] {strides = array<i32>} : memref<80x16xf32, #tpu.memory_space<vmem>>, vector<1x16xf32>,
      %get3A_380 = vector.shape_cast %get3A_379 : vector<1x16xf32> to vector<16xf32>
      %slice3A_381 = vector.extract_strided_slice %mul3A_285 {offsets = [6], sizes = [1], strides = [1]} : vector<16xf32> to vector<1xf32>
      %squeeze3A_382 = vector.extract %slice3A_381[0] : f32 from vector<1xf32>
      %mul3A_383 = vector.broadcast %squeeze3A_382 : f32 to vector<16xf32>
      %mul3A_384 = arith.mulf %get3A_380, %mul3A_383 : vector<16xf32>
      %swap3A_385 = arith.constant 22 : i32
      %swap3A_386 = arith.index_cast %swap3A_385 : i32 to index
      %swap3A_387 = arith.constant 0 : index
      %swap3A_388 = tpu.vector_load %arg12[%swap3A_386, %swap3A_387] {strides = array<i32>} : memref<80x16xf32, #tpu.memory_space<vmem>>, vector<1x16xf32>,
      %swap3A_389 = vector.shape_cast %swap3A_388 : vector<1x16xf32> to vector<16xf32>
      %swap3A_390 = vector.shape_cast %mul3A_384 : vector<16xf32> to vector<1x16xf32>
      tpu.vector_store %arg12[%swap3A_386, %swap3A_387], %swap3A_390 {strides = array<i32>} : memref<80x16xf32, #tpu.memory_space<vmem>>, vector<1x16xf32>,
      %get3A_391 = arith.constant 23 : i32
      %get3A_392 = arith.index_cast %get3A_391 : i32 to index
      %get3A_393 = arith.constant 0 : index
      %get3A_394 = tpu.vector_load %arg12[%get3A_392, %get3A_393] {strides = array<i32>} : memref<80x16xf32, #tpu.memory_space<vmem>>, vector<1x16xf32>,
      %get3A_395 = vector.shape_cast %get3A_394 : vector<1x16xf32> to vector<16xf32>
      %slice3A_396 = vector.extract_strided_slice %mul3A_285 {offsets = [7], sizes = [1], strides = [1]} : vector<16xf32> to vector<1xf32>
      %squeeze3A_397 = vector.extract %slice3A_396[0] : f32 from vector<1xf32>
      %mul3A_398 = vector.broadcast %squeeze3A_397 : f32 to vector<16xf32>
      %mul3A_399 = arith.mulf %get3A_395, %mul3A_398 : vector<16xf32>
      %swap3A_400 = arith.constant 23 : i32
      %swap3A_401 = arith.index_cast %swap3A_400 : i32 to index
      %swap3A_402 = arith.constant 0 : index
      %swap3A_403 = tpu.vector_load %arg12[%swap3A_401, %swap3A_402] {strides = array<i32>} : memref<80x16xf32, #tpu.memory_space<vmem>>, vector<1x16xf32>,
      %swap3A_404 = vector.shape_cast %swap3A_403 : vector<1x16xf32> to vector<16xf32>
      %swap3A_405 = vector.shape_cast %mul3A_399 : vector<16xf32> to vector<1x16xf32>
      tpu.vector_store %arg12[%swap3A_401, %swap3A_402], %swap3A_405 {strides = array<i32>} : memref<80x16xf32, #tpu.memory_space<vmem>>, vector<1x16xf32>,
      %get3A_406 = arith.constant 24 : i32
      %get3A_407 = arith.index_cast %get3A_406 : i32 to index
      %get3A_408 = arith.constant 0 : index
      %get3A_409 = tpu.vector_load %arg12[%get3A_407, %get3A_408] {strides = array<i32>} : memref<80x16xf32, #tpu.memory_space<vmem>>, vector<1x16xf32>,
      %get3A_410 = vector.shape_cast %get3A_409 : vector<1x16xf32> to vector<16xf32>
      %slice3A_411 = vector.extract_strided_slice %mul3A_285 {offsets = [8], sizes = [1], strides = [1]} : vector<16xf32> to vector<1xf32>
      %squeeze3A_412 = vector.extract %slice3A_411[0] : f32 from vector<1xf32>
      %mul3A_413 = vector.broadcast %squeeze3A_412 : f32 to vector<16xf32>
      %mul3A_414 = arith.mulf %get3A_410, %mul3A_413 : vector<16xf32>
      %swap3A_415 = arith.constant 24 : i32
      %swap3A_416 = arith.index_cast %swap3A_415 : i32 to index
      %swap3A_417 = arith.constant 0 : index
      %swap3A_418 = tpu.vector_load %arg12[%swap3A_416, %swap3A_417] {strides = array<i32>} : memref<80x16xf32, #tpu.memory_space<vmem>>, vector<1x16xf32>,
      %swap3A_419 = vector.shape_cast %swap3A_418 : vector<1x16xf32> to vector<16xf32>
      %swap3A_420 = vector.shape_cast %mul3A_414 : vector<16xf32> to vector<1x16xf32>
      tpu.vector_store %arg12[%swap3A_416, %swap3A_417], %swap3A_420 {strides = array<i32>} : memref<80x16xf32, #tpu.memory_space<vmem>>, vector<1x16xf32>,
      %get3A_421 = arith.constant 25 : i32
      %get3A_422 = arith.index_cast %get3A_421 : i32 to index
      %get3A_423 = arith.constant 0 : index
      %get3A_424 = tpu.vector_load %arg12[%get3A_422, %get3A_423] {strides = array<i32>} : memref<80x16xf32, #tpu.memory_space<vmem>>, vector<1x16xf32>,
      %get3A_425 = vector.shape_cast %get3A_424 : vector<1x16xf32> to vector<16xf32>
      %slice3A_426 = vector.extract_strided_slice %mul3A_285 {offsets = [9], sizes = [1], strides = [1]} : vector<16xf32> to vector<1xf32>
      %squeeze3A_427 = vector.extract %slice3A_426[0] : f32 from vector<1xf32>
      %mul3A_428 = vector.broadcast %squeeze3A_427 : f32 to vector<16xf32>
      %mul3A_429 = arith.mulf %get3A_425, %mul3A_428 : vector<16xf32>
      %swap3A_430 = arith.constant 25 : i32
      %swap3A_431 = arith.index_cast %swap3A_430 : i32 to index
      %swap3A_432 = arith.constant 0 : index
      %swap3A_433 = tpu.vector_load %arg12[%swap3A_431, %swap3A_432] {strides = array<i32>} : memref<80x16xf32, #tpu.memory_space<vmem>>, vector<1x16xf32>,
      %swap3A_434 = vector.shape_cast %swap3A_433 : vector<1x16xf32> to vector<16xf32>
      %swap3A_435 = vector.shape_cast %mul3A_429 : vector<16xf32> to vector<1x16xf32>
      tpu.vector_store %arg12[%swap3A_431, %swap3A_432], %swap3A_435 {strides = array<i32>} : memref<80x16xf32, #tpu.memory_space<vmem>>, vector<1x16xf32>,
      %get3A_436 = arith.constant 26 : i32
      %get3A_437 = arith.index_cast %get3A_436 : i32 to index
      %get3A_438 = arith.constant 0 : index
      %get3A_439 = tpu.vector_load %arg12[%get3A_437, %get3A_438] {strides = array<i32>} : memref<80x16xf32, #tpu.memory_space<vmem>>, vector<1x16xf32>,
      %get3A_440 = vector.shape_cast %get3A_439 : vector<1x16xf32> to vector<16xf32>
      %slice3A_441 = vector.extract_strided_slice %mul3A_285 {offsets = [10], sizes = [1], strides = [1]} : vector<16xf32> to vector<1xf32>
      %squeeze3A_442 = vector.extract %slice3A_441[0] : f32 from vector<1xf32>
      %mul3A_443 = vector.broadcast %squeeze3A_442 : f32 to vector<16xf32>
      %mul3A_444 = arith.mulf %get3A_440, %mul3A_443 : vector<16xf32>
      %swap3A_445 = arith.constant 26 : i32
      %swap3A_446 = arith.index_cast %swap3A_445 : i32 to index
      %swap3A_447 = arith.constant 0 : index
      %swap3A_448 = tpu.vector_load %arg12[%swap3A_446, %swap3A_447] {strides = array<i32>} : memref<80x16xf32, #tpu.memory_space<vmem>>, vector<1x16xf32>,
      %swap3A_449 = vector.shape_cast %swap3A_448 : vector<1x16xf32> to vector<16xf32>
      %swap3A_450 = vector.shape_cast %mul3A_444 : vector<16xf32> to vector<1x16xf32>
      tpu.vector_store %arg12[%swap3A_446, %swap3A_447], %swap3A_450 {strides = array<i32>} : memref<80x16xf32, #tpu.memory_space<vmem>>, vector<1x16xf32>,
      %get3A_451 = arith.constant 27 : i32
      %get3A_452 = arith.index_cast %get3A_451 : i32 to index
      %get3A_453 = arith.constant 0 : index
      %get3A_454 = tpu.vector_load %arg12[%get3A_452, %get3A_453] {strides = array<i32>} : memref<80x16xf32, #tpu.memory_space<vmem>>, vector<1x16xf32>,
      %get3A_455 = vector.shape_cast %get3A_454 : vector<1x16xf32> to vector<16xf32>
      %slice3A_456 = vector.extract_strided_slice %mul3A_285 {offsets = [11], sizes = [1], strides = [1]} : vector<16xf32> to vector<1xf32>
      %squeeze3A_457 = vector.extract %slice3A_456[0] : f32 from vector<1xf32>
      %mul3A_458 = vector.broadcast %squeeze3A_457 : f32 to vector<16xf32>
      %mul3A_459 = arith.mulf %get3A_455, %mul3A_458 : vector<16xf32>
      %swap3A_460 = arith.constant 27 : i32
      %swap3A_461 = arith.index_cast %swap3A_460 : i32 to index
      %swap3A_462 = arith.constant 0 : index
      %swap3A_463 = tpu.vector_load %arg12[%swap3A_461, %swap3A_462] {strides = array<i32>} : memref<80x16xf32, #tpu.memory_space<vmem>>, vector<1x16xf32>,
      %swap3A_464 = vector.shape_cast %swap3A_463 : vector<1x16xf32> to vector<16xf32>
      %swap3A_465 = vector.shape_cast %mul3A_459 : vector<16xf32> to vector<1x16xf32>
      tpu.vector_store %arg12[%swap3A_461, %swap3A_462], %swap3A_465 {strides = array<i32>} : memref<80x16xf32, #tpu.memory_space<vmem>>, vector<1x16xf32>,
      %get3A_466 = arith.constant 28 : i32
      %get3A_467 = arith.index_cast %get3A_466 : i32 to index
      %get3A_468 = arith.constant 0 : index
      %get3A_469 = tpu.vector_load %arg12[%get3A_467, %get3A_468] {strides = array<i32>} : memref<80x16xf32, #tpu.memory_space<vmem>>, vector<1x16xf32>,
      %get3A_470 = vector.shape_cast %get3A_469 : vector<1x16xf32> to vector<16xf32>
      %slice3A_471 = vector.extract_strided_slice %mul3A_285 {offsets = [12], sizes = [1], strides = [1]} : vector<16xf32> to vector<1xf32>
      %squeeze3A_472 = vector.extract %slice3A_471[0] : f32 from vector<1xf32>
      %mul3A_473 = vector.broadcast %squeeze3A_472 : f32 to vector<16xf32>
      %mul3A_474 = arith.mulf %get3A_470, %mul3A_473 : vector<16xf32>
      %swap3A_475 = arith.constant 28 : i32
      %swap3A_476 = arith.index_cast %swap3A_475 : i32 to index
      %swap3A_477 = arith.constant 0 : index
      %swap3A_478 = tpu.vector_load %arg12[%swap3A_476, %swap3A_477] {strides = array<i32>} : memref<80x16xf32, #tpu.memory_space<vmem>>, vector<1x16xf32>,
      %swap3A_479 = vector.shape_cast %swap3A_478 : vector<1x16xf32> to vector<16xf32>
      %swap3A_480 = vector.shape_cast %mul3A_474 : vector<16xf32> to vector<1x16xf32>
      tpu.vector_store %arg12[%swap3A_476, %swap3A_477], %swap3A_480 {strides = array<i32>} : memref<80x16xf32, #tpu.memory_space<vmem>>, vector<1x16xf32>,
      %get3A_481 = arith.constant 29 : i32
      %get3A_482 = arith.index_cast %get3A_481 : i32 to index
      %get3A_483 = arith.constant 0 : index
      %get3A_484 = tpu.vector_load %arg12[%get3A_482, %get3A_483] {strides = array<i32>} : memref<80x16xf32, #tpu.memory_space<vmem>>, vector<1x16xf32>,
      %get3A_485 = vector.shape_cast %get3A_484 : vector<1x16xf32> to vector<16xf32>
      %slice3A_486 = vector.extract_strided_slice %mul3A_285 {offsets = [13], sizes = [1], strides = [1]} : vector<16xf32> to vector<1xf32>
      %squeeze3A_487 = vector.extract %slice3A_486[0] : f32 from vector<1xf32>
      %mul3A_488 = vector.broadcast %squeeze3A_487 : f32 to vector<16xf32>
      %mul3A_489 = arith.mulf %get3A_485, %mul3A_488 : vector<16xf32>
      %swap3A_490 = arith.constant 29 : i32
      %swap3A_491 = arith.index_cast %swap3A_490 : i32 to index
      %swap3A_492 = arith.constant 0 : index
      %swap3A_493 = tpu.vector_load %arg12[%swap3A_491, %swap3A_492] {strides = array<i32>} : memref<80x16xf32, #tpu.memory_space<vmem>>, vector<1x16xf32>,
      %swap3A_494 = vector.shape_cast %swap3A_493 : vector<1x16xf32> to vector<16xf32>
      %swap3A_495 = vector.shape_cast %mul3A_489 : vector<16xf32> to vector<1x16xf32>
      tpu.vector_store %arg12[%swap3A_491, %swap3A_492], %swap3A_495 {strides = array<i32>} : memref<80x16xf32, #tpu.memory_space<vmem>>, vector<1x16xf32>,
      %get3A_496 = arith.constant 30 : i32
      %get3A_497 = arith.index_cast %get3A_496 : i32 to index
      %get3A_498 = arith.constant 0 : index
      %get3A_499 = tpu.vector_load %arg12[%get3A_497, %get3A_498] {strides = array<i32>} : memref<80x16xf32, #tpu.memory_space<vmem>>, vector<1x16xf32>,
      %get3A_500 = vector.shape_cast %get3A_499 : vector<1x16xf32> to vector<16xf32>
      %slice3A_501 = vector.extract_strided_slice %mul3A_285 {offsets = [14], sizes = [1], strides = [1]} : vector<16xf32> to vector<1xf32>
      %squeeze3A_502 = vector.extract %slice3A_501[0] : f32 from vector<1xf32>
      %mul3A_503 = vector.broadcast %squeeze3A_502 : f32 to vector<16xf32>
      %mul3A_504 = arith.mulf %get3A_500, %mul3A_503 : vector<16xf32>
      %swap3A_505 = arith.constant 30 : i32
      %swap3A_506 = arith.index_cast %swap3A_505 : i32 to index
      %swap3A_507 = arith.constant 0 : index
      %swap3A_508 = tpu.vector_load %arg12[%swap3A_506, %swap3A_507] {strides = array<i32>} : memref<80x16xf32, #tpu.memory_space<vmem>>, vector<1x16xf32>,
      %swap3A_509 = vector.shape_cast %swap3A_508 : vector<1x16xf32> to vector<16xf32>
      %swap3A_510 = vector.shape_cast %mul3A_504 : vector<16xf32> to vector<1x16xf32>
      tpu.vector_store %arg12[%swap3A_506, %swap3A_507], %swap3A_510 {strides = array<i32>} : memref<80x16xf32, #tpu.memory_space<vmem>>, vector<1x16xf32>,
      %get3A_511 = arith.constant 31 : i32
      %get3A_512 = arith.index_cast %get3A_511 : i32 to index
      %get3A_513 = arith.constant 0 : index
      %get3A_514 = tpu.vector_load %arg12[%get3A_512, %get3A_513] {strides = array<i32>} : memref<80x16xf32, #tpu.memory_space<vmem>>, vector<1x16xf32>,
      %get3A_515 = vector.shape_cast %get3A_514 : vector<1x16xf32> to vector<16xf32>
      %slice3A_516 = vector.extract_strided_slice %mul3A_285 {offsets = [15], sizes = [1], strides = [1]} : vector<16xf32> to vector<1xf32>
      %squeeze3A_517 = vector.extract %slice3A_516[0] : f32 from vector<1xf32>
      %mul3A_518 = vector.broadcast %squeeze3A_517 : f32 to vector<16xf32>
      %mul3A_519 = arith.mulf %get3A_515, %mul3A_518 : vector<16xf32>
      %swap3A_520 = arith.constant 31 : i32
      %swap3A_521 = arith.index_cast %swap3A_520 : i32 to index
      %swap3A_522 = arith.constant 0 : index
      %swap3A_523 = tpu.vector_load %arg12[%swap3A_521, %swap3A_522] {strides = array<i32>} : memref<80x16xf32, #tpu.memory_space<vmem>>, vector<1x16xf32>,
      %swap3A_524 = vector.shape_cast %swap3A_523 : vector<1x16xf32> to vector<16xf32>
      %swap3A_525 = vector.shape_cast %mul3A_519 : vector<16xf32> to vector<1x16xf32>
      tpu.vector_store %arg12[%swap3A_521, %swap3A_522], %swap3A_525 {strides = array<i32>} : memref<80x16xf32, #tpu.memory_space<vmem>>, vector<1x16xf32>,
      %get3A_526 = arith.constant 32 : index
      %get3A_527 = tpu.vector_load %arg13[%get3A_526] {strides = array<i32>} : memref<80xf32, #tpu.memory_space<vmem>>, vector<16xf32>,
      %get3A_528 = vector.shape_cast %get3A_527 : vector<16xf32> to vector<16xf32>
      %get3A_529 = arith.constant 32 : index
      %get3A_530 = tpu.vector_load %arg11[%get3A_529] {strides = array<i32>} : memref<80xf32, #tpu.memory_space<vmem>>, vector<16xf32>,
      %get3A_531 = vector.shape_cast %get3A_530 : vector<16xf32> to vector<16xf32>
      %mul3A_532 = arith.mulf %get3A_528, %get3A_531 : vector<16xf32>
      %get3A_533 = arith.constant 32 : index
      %get3A_534 = tpu.vector_load %arg14[%get3A_533] {strides = array<i32>} : memref<80xf32, #tpu.memory_space<vmem>>, vector<16xf32>,
      %get3A_535 = vector.shape_cast %get3A_534 : vector<16xf32> to vector<16xf32>
      %mul3A_536 = arith.mulf %mul3A_532, %get3A_535 : vector<16xf32>
      %get3A_537 = arith.constant 32 : i32
      %get3A_538 = arith.index_cast %get3A_537 : i32 to index
      %get3A_539 = arith.constant 0 : index
      %get3A_540 = tpu.vector_load %arg12[%get3A_538, %get3A_539] {strides = array<i32>} : memref<80x16xf32, #tpu.memory_space<vmem>>, vector<1x16xf32>,
      %get3A_541 = vector.shape_cast %get3A_540 : vector<1x16xf32> to vector<16xf32>
      %slice3A_542 = vector.extract_strided_slice %mul3A_536 {offsets = [0], sizes = [1], strides = [1]} : vector<16xf32> to vector<1xf32>
      %squeeze3A_543 = vector.extract %slice3A_542[0] : f32 from vector<1xf32>
      %mul3A_544 = vector.broadcast %squeeze3A_543 : f32 to vector<16xf32>
      %mul3A_545 = arith.mulf %get3A_541, %mul3A_544 : vector<16xf32>
      %swap3A_546 = arith.constant 32 : i32
      %swap3A_547 = arith.index_cast %swap3A_546 : i32 to index
      %swap3A_548 = arith.constant 0 : index
      %swap3A_549 = tpu.vector_load %arg12[%swap3A_547, %swap3A_548] {strides = array<i32>} : memref<80x16xf32, #tpu.memory_space<vmem>>, vector<1x16xf32>,
      %swap3A_550 = vector.shape_cast %swap3A_549 : vector<1x16xf32> to vector<16xf32>
      %swap3A_551 = vector.shape_cast %mul3A_545 : vector<16xf32> to vector<1x16xf32>
      tpu.vector_store %arg12[%swap3A_547, %swap3A_548], %swap3A_551 {strides = array<i32>} : memref<80x16xf32, #tpu.memory_space<vmem>>, vector<1x16xf32>,
      %get3A_552 = arith.constant 33 : i32
      %get3A_553 = arith.index_cast %get3A_552 : i32 to index
      %get3A_554 = arith.constant 0 : index
      %get3A_555 = tpu.vector_load %arg12[%get3A_553, %get3A_554] {strides = array<i32>} : memref<80x16xf32, #tpu.memory_space<vmem>>, vector<1x16xf32>,
      %get3A_556 = vector.shape_cast %get3A_555 : vector<1x16xf32> to vector<16xf32>
      %slice3A_557 = vector.extract_strided_slice %mul3A_536 {offsets = [1], sizes = [1], strides = [1]} : vector<16xf32> to vector<1xf32>
      %squeeze3A_558 = vector.extract %slice3A_557[0] : f32 from vector<1xf32>
      %mul3A_559 = vector.broadcast %squeeze3A_558 : f32 to vector<16xf32>
      %mul3A_560 = arith.mulf %get3A_556, %mul3A_559 : vector<16xf32>
      %swap3A_561 = arith.constant 33 : i32
      %swap3A_562 = arith.index_cast %swap3A_561 : i32 to index
      %swap3A_563 = arith.constant 0 : index
      %swap3A_564 = tpu.vector_load %arg12[%swap3A_562, %swap3A_563] {strides = array<i32>} : memref<80x16xf32, #tpu.memory_space<vmem>>, vector<1x16xf32>,
      %swap3A_565 = vector.shape_cast %swap3A_564 : vector<1x16xf32> to vector<16xf32>
      %swap3A_566 = vector.shape_cast %mul3A_560 : vector<16xf32> to vector<1x16xf32>
      tpu.vector_store %arg12[%swap3A_562, %swap3A_563], %swap3A_566 {strides = array<i32>} : memref<80x16xf32, #tpu.memory_space<vmem>>, vector<1x16xf32>,
      %get3A_567 = arith.constant 34 : i32
      %get3A_568 = arith.index_cast %get3A_567 : i32 to index
      %get3A_569 = arith.constant 0 : index
      %get3A_570 = tpu.vector_load %arg12[%get3A_568, %get3A_569] {strides = array<i32>} : memref<80x16xf32, #tpu.memory_space<vmem>>, vector<1x16xf32>,
      %get3A_571 = vector.shape_cast %get3A_570 : vector<1x16xf32> to vector<16xf32>
      %slice3A_572 = vector.extract_strided_slice %mul3A_536 {offsets = [2], sizes = [1], strides = [1]} : vector<16xf32> to vector<1xf32>
      %squeeze3A_573 = vector.extract %slice3A_572[0] : f32 from vector<1xf32>
      %mul3A_574 = vector.broadcast %squeeze3A_573 : f32 to vector<16xf32>
      %mul3A_575 = arith.mulf %get3A_571, %mul3A_574 : vector<16xf32>
      %swap3A_576 = arith.constant 34 : i32
      %swap3A_577 = arith.index_cast %swap3A_576 : i32 to index
      %swap3A_578 = arith.constant 0 : index
      %swap3A_579 = tpu.vector_load %arg12[%swap3A_577, %swap3A_578] {strides = array<i32>} : memref<80x16xf32, #tpu.memory_space<vmem>>, vector<1x16xf32>,
      %swap3A_580 = vector.shape_cast %swap3A_579 : vector<1x16xf32> to vector<16xf32>
      %swap3A_581 = vector.shape_cast %mul3A_575 : vector<16xf32> to vector<1x16xf32>
      tpu.vector_store %arg12[%swap3A_577, %swap3A_578], %swap3A_581 {strides = array<i32>} : memref<80x16xf32, #tpu.memory_space<vmem>>, vector<1x16xf32>,
      %get3A_582 = arith.constant 35 : i32
      %get3A_583 = arith.index_cast %get3A_582 : i32 to index
      %get3A_584 = arith.constant 0 : index
      %get3A_585 = tpu.vector_load %arg12[%get3A_583, %get3A_584] {strides = array<i32>} : memref<80x16xf32, #tpu.memory_space<vmem>>, vector<1x16xf32>,
      %get3A_586 = vector.shape_cast %get3A_585 : vector<1x16xf32> to vector<16xf32>
      %slice3A_587 = vector.extract_strided_slice %mul3A_536 {offsets = [3], sizes = [1], strides = [1]} : vector<16xf32> to vector<1xf32>
      %squeeze3A_588 = vector.extract %slice3A_587[0] : f32 from vector<1xf32>
      %mul3A_589 = vector.broadcast %squeeze3A_588 : f32 to vector<16xf32>
      %mul3A_590 = arith.mulf %get3A_586, %mul3A_589 : vector<16xf32>
      %swap3A_591 = arith.constant 35 : i32
      %swap3A_592 = arith.index_cast %swap3A_591 : i32 to index
      %swap3A_593 = arith.constant 0 : index
      %swap3A_594 = tpu.vector_load %arg12[%swap3A_592, %swap3A_593] {strides = array<i32>} : memref<80x16xf32, #tpu.memory_space<vmem>>, vector<1x16xf32>,
      %swap3A_595 = vector.shape_cast %swap3A_594 : vector<1x16xf32> to vector<16xf32>
      %swap3A_596 = vector.shape_cast %mul3A_590 : vector<16xf32> to vector<1x16xf32>
      tpu.vector_store %arg12[%swap3A_592, %swap3A_593], %swap3A_596 {strides = array<i32>} : memref<80x16xf32, #tpu.memory_space<vmem>>, vector<1x16xf32>,
      %get3A_597 = arith.constant 36 : i32
      %get3A_598 = arith.index_cast %get3A_597 : i32 to index
      %get3A_599 = arith.constant 0 : index
      %get3A_600 = tpu.vector_load %arg12[%get3A_598, %get3A_599] {strides = array<i32>} : memref<80x16xf32, #tpu.memory_space<vmem>>, vector<1x16xf32>,
      %get3A_601 = vector.shape_cast %get3A_600 : vector<1x16xf32> to vector<16xf32>
      %slice3A_602 = vector.extract_strided_slice %mul3A_536 {offsets = [4], sizes = [1], strides = [1]} : vector<16xf32> to vector<1xf32>
      %squeeze3A_603 = vector.extract %slice3A_602[0] : f32 from vector<1xf32>
      %mul3A_604 = vector.broadcast %squeeze3A_603 : f32 to vector<16xf32>
      %mul3A_605 = arith.mulf %get3A_601, %mul3A_604 : vector<16xf32>
      %swap3A_606 = arith.constant 36 : i32
      %swap3A_607 = arith.index_cast %swap3A_606 : i32 to index
      %swap3A_608 = arith.constant 0 : index
      %swap3A_609 = tpu.vector_load %arg12[%swap3A_607, %swap3A_608] {strides = array<i32>} : memref<80x16xf32, #tpu.memory_space<vmem>>, vector<1x16xf32>,
      %swap3A_610 = vector.shape_cast %swap3A_609 : vector<1x16xf32> to vector<16xf32>
      %swap3A_611 = vector.shape_cast %mul3A_605 : vector<16xf32> to vector<1x16xf32>
      tpu.vector_store %arg12[%swap3A_607, %swap3A_608], %swap3A_611 {strides = array<i32>} : memref<80x16xf32, #tpu.memory_space<vmem>>, vector<1x16xf32>,
      %get3A_612 = arith.constant 37 : i32
      %get3A_613 = arith.index_cast %get3A_612 : i32 to index
      %get3A_614 = arith.constant 0 : index
      %get3A_615 = tpu.vector_load %arg12[%get3A_613, %get3A_614] {strides = array<i32>} : memref<80x16xf32, #tpu.memory_space<vmem>>, vector<1x16xf32>,
      %get3A_616 = vector.shape_cast %get3A_615 : vector<1x16xf32> to vector<16xf32>
      %slice3A_617 = vector.extract_strided_slice %mul3A_536 {offsets = [5], sizes = [1], strides = [1]} : vector<16xf32> to vector<1xf32>
      %squeeze3A_618 = vector.extract %slice3A_617[0] : f32 from vector<1xf32>
      %mul3A_619 = vector.broadcast %squeeze3A_618 : f32 to vector<16xf32>
      %mul3A_620 = arith.mulf %get3A_616, %mul3A_619 : vector<16xf32>
      %swap3A_621 = arith.constant 37 : i32
      %swap3A_622 = arith.index_cast %swap3A_621 : i32 to index
      %swap3A_623 = arith.constant 0 : index
      %swap3A_624 = tpu.vector_load %arg12[%swap3A_622, %swap3A_623] {strides = array<i32>} : memref<80x16xf32, #tpu.memory_space<vmem>>, vector<1x16xf32>,
      %swap3A_625 = vector.shape_cast %swap3A_624 : vector<1x16xf32> to vector<16xf32>
      %swap3A_626 = vector.shape_cast %mul3A_620 : vector<16xf32> to vector<1x16xf32>
      tpu.vector_store %arg12[%swap3A_622, %swap3A_623], %swap3A_626 {strides = array<i32>} : memref<80x16xf32, #tpu.memory_space<vmem>>, vector<1x16xf32>,
      %get3A_627 = arith.constant 38 : i32
      %get3A_628 = arith.index_cast %get3A_627 : i32 to index
      %get3A_629 = arith.constant 0 : index
      %get3A_630 = tpu.vector_load %arg12[%get3A_628, %get3A_629] {strides = array<i32>} : memref<80x16xf32, #tpu.memory_space<vmem>>, vector<1x16xf32>,
      %get3A_631 = vector.shape_cast %get3A_630 : vector<1x16xf32> to vector<16xf32>
      %slice3A_632 = vector.extract_strided_slice %mul3A_536 {offsets = [6], sizes = [1], strides = [1]} : vector<16xf32> to vector<1xf32>
      %squeeze3A_633 = vector.extract %slice3A_632[0] : f32 from vector<1xf32>
      %mul3A_634 = vector.broadcast %squeeze3A_633 : f32 to vector<16xf32>
      %mul3A_635 = arith.mulf %get3A_631, %mul3A_634 : vector<16xf32>
      %swap3A_636 = arith.constant 38 : i32
      %swap3A_637 = arith.index_cast %swap3A_636 : i32 to index
      %swap3A_638 = arith.constant 0 : index
      %swap3A_639 = tpu.vector_load %arg12[%swap3A_637, %swap3A_638] {strides = array<i32>} : memref<80x16xf32, #tpu.memory_space<vmem>>, vector<1x16xf32>,
      %swap3A_640 = vector.shape_cast %swap3A_639 : vector<1x16xf32> to vector<16xf32>
      %swap3A_641 = vector.shape_cast %mul3A_635 : vector<16xf32> to vector<1x16xf32>
      tpu.vector_store %arg12[%swap3A_637, %swap3A_638], %swap3A_641 {strides = array<i32>} : memref<80x16xf32, #tpu.memory_space<vmem>>, vector<1x16xf32>,
      %get3A_642 = arith.constant 39 : i32
      %get3A_643 = arith.index_cast %get3A_642 : i32 to index
      %get3A_644 = arith.constant 0 : index
      %get3A_645 = tpu.vector_load %arg12[%get3A_643, %get3A_644] {strides = array<i32>} : memref<80x16xf32, #tpu.memory_space<vmem>>, vector<1x16xf32>,
      %get3A_646 = vector.shape_cast %get3A_645 : vector<1x16xf32> to vector<16xf32>
      %slice3A_647 = vector.extract_strided_slice %mul3A_536 {offsets = [7], sizes = [1], strides = [1]} : vector<16xf32> to vector<1xf32>
      %squeeze3A_648 = vector.extract %slice3A_647[0] : f32 from vector<1xf32>
      %mul3A_649 = vector.broadcast %squeeze3A_648 : f32 to vector<16xf32>
      %mul3A_650 = arith.mulf %get3A_646, %mul3A_649 : vector<16xf32>
      %swap3A_651 = arith.constant 39 : i32
      %swap3A_652 = arith.index_cast %swap3A_651 : i32 to index
      %swap3A_653 = arith.constant 0 : index
      %swap3A_654 = tpu.vector_load %arg12[%swap3A_652, %swap3A_653] {strides = array<i32>} : memref<80x16xf32, #tpu.memory_space<vmem>>, vector<1x16xf32>,
      %swap3A_655 = vector.shape_cast %swap3A_654 : vector<1x16xf32> to vector<16xf32>
      %swap3A_656 = vector.shape_cast %mul3A_650 : vector<16xf32> to vector<1x16xf32>
      tpu.vector_store %arg12[%swap3A_652, %swap3A_653], %swap3A_656 {strides = array<i32>} : memref<80x16xf32, #tpu.memory_space<vmem>>, vector<1x16xf32>,
      %get3A_657 = arith.constant 40 : i32
      %get3A_658 = arith.index_cast %get3A_657 : i32 to index
      %get3A_659 = arith.constant 0 : index
      %get3A_660 = tpu.vector_load %arg12[%get3A_658, %get3A_659] {strides = array<i32>} : memref<80x16xf32, #tpu.memory_space<vmem>>, vector<1x16xf32>,
      %get3A_661 = vector.shape_cast %get3A_660 : vector<1x16xf32> to vector<16xf32>
      %slice3A_662 = vector.extract_strided_slice %mul3A_536 {offsets = [8], sizes = [1], strides = [1]} : vector<16xf32> to vector<1xf32>
      %squeeze3A_663 = vector.extract %slice3A_662[0] : f32 from vector<1xf32>
      %mul3A_664 = vector.broadcast %squeeze3A_663 : f32 to vector<16xf32>
      %mul3A_665 = arith.mulf %get3A_661, %mul3A_664 : vector<16xf32>
      %swap3A_666 = arith.constant 40 : i32
      %swap3A_667 = arith.index_cast %swap3A_666 : i32 to index
      %swap3A_668 = arith.constant 0 : index
      %swap3A_669 = tpu.vector_load %arg12[%swap3A_667, %swap3A_668] {strides = array<i32>} : memref<80x16xf32, #tpu.memory_space<vmem>>, vector<1x16xf32>,
      %swap3A_670 = vector.shape_cast %swap3A_669 : vector<1x16xf32> to vector<16xf32>
      %swap3A_671 = vector.shape_cast %mul3A_665 : vector<16xf32> to vector<1x16xf32>
      tpu.vector_store %arg12[%swap3A_667, %swap3A_668], %swap3A_671 {strides = array<i32>} : memref<80x16xf32, #tpu.memory_space<vmem>>, vector<1x16xf32>,
      %get3A_672 = arith.constant 41 : i32
      %get3A_673 = arith.index_cast %get3A_672 : i32 to index
      %get3A_674 = arith.constant 0 : index
      %get3A_675 = tpu.vector_load %arg12[%get3A_673, %get3A_674] {strides = array<i32>} : memref<80x16xf32, #tpu.memory_space<vmem>>, vector<1x16xf32>,
      %get3A_676 = vector.shape_cast %get3A_675 : vector<1x16xf32> to vector<16xf32>
      %slice3A_677 = vector.extract_strided_slice %mul3A_536 {offsets = [9], sizes = [1], strides = [1]} : vector<16xf32> to vector<1xf32>
      %squeeze3A_678 = vector.extract %slice3A_677[0] : f32 from vector<1xf32>
      %mul3A_679 = vector.broadcast %squeeze3A_678 : f32 to vector<16xf32>
      %mul3A_680 = arith.mulf %get3A_676, %mul3A_679 : vector<16xf32>
      %swap3A_681 = arith.constant 41 : i32
      %swap3A_682 = arith.index_cast %swap3A_681 : i32 to index
      %swap3A_683 = arith.constant 0 : index
      %swap3A_684 = tpu.vector_load %arg12[%swap3A_682, %swap3A_683] {strides = array<i32>} : memref<80x16xf32, #tpu.memory_space<vmem>>, vector<1x16xf32>,
      %swap3A_685 = vector.shape_cast %swap3A_684 : vector<1x16xf32> to vector<16xf32>
      %swap3A_686 = vector.shape_cast %mul3A_680 : vector<16xf32> to vector<1x16xf32>
      tpu.vector_store %arg12[%swap3A_682, %swap3A_683], %swap3A_686 {strides = array<i32>} : memref<80x16xf32, #tpu.memory_space<vmem>>, vector<1x16xf32>,
      %get3A_687 = arith.constant 42 : i32
      %get3A_688 = arith.index_cast %get3A_687 : i32 to index
      %get3A_689 = arith.constant 0 : index
      %get3A_690 = tpu.vector_load %arg12[%get3A_688, %get3A_689] {strides = array<i32>} : memref<80x16xf32, #tpu.memory_space<vmem>>, vector<1x16xf32>,
      %get3A_691 = vector.shape_cast %get3A_690 : vector<1x16xf32> to vector<16xf32>
      %slice3A_692 = vector.extract_strided_slice %mul3A_536 {offsets = [10], sizes = [1], strides = [1]} : vector<16xf32> to vector<1xf32>
      %squeeze3A_693 = vector.extract %slice3A_692[0] : f32 from vector<1xf32>
      %mul3A_694 = vector.broadcast %squeeze3A_693 : f32 to vector<16xf32>
      %mul3A_695 = arith.mulf %get3A_691, %mul3A_694 : vector<16xf32>
      %swap3A_696 = arith.constant 42 : i32
      %swap3A_697 = arith.index_cast %swap3A_696 : i32 to index
      %swap3A_698 = arith.constant 0 : index
      %swap3A_699 = tpu.vector_load %arg12[%swap3A_697, %swap3A_698] {strides = array<i32>} : memref<80x16xf32, #tpu.memory_space<vmem>>, vector<1x16xf32>,
      %swap3A_700 = vector.shape_cast %swap3A_699 : vector<1x16xf32> to vector<16xf32>
      %swap3A_701 = vector.shape_cast %mul3A_695 : vector<16xf32> to vector<1x16xf32>
      tpu.vector_store %arg12[%swap3A_697, %swap3A_698], %swap3A_701 {strides = array<i32>} : memref<80x16xf32, #tpu.memory_space<vmem>>, vector<1x16xf32>,
      %get3A_702 = arith.constant 43 : i32
      %get3A_703 = arith.index_cast %get3A_702 : i32 to index
      %get3A_704 = arith.constant 0 : index
      %get3A_705 = tpu.vector_load %arg12[%get3A_703, %get3A_704] {strides = array<i32>} : memref<80x16xf32, #tpu.memory_space<vmem>>, vector<1x16xf32>,
      %get3A_706 = vector.shape_cast %get3A_705 : vector<1x16xf32> to vector<16xf32>
      %slice3A_707 = vector.extract_strided_slice %mul3A_536 {offsets = [11], sizes = [1], strides = [1]} : vector<16xf32> to vector<1xf32>
      %squeeze3A_708 = vector.extract %slice3A_707[0] : f32 from vector<1xf32>
      %mul3A_709 = vector.broadcast %squeeze3A_708 : f32 to vector<16xf32>
      %mul3A_710 = arith.mulf %get3A_706, %mul3A_709 : vector<16xf32>
      %swap3A_711 = arith.constant 43 : i32
      %swap3A_712 = arith.index_cast %swap3A_711 : i32 to index
      %swap3A_713 = arith.constant 0 : index
      %swap3A_714 = tpu.vector_load %arg12[%swap3A_712, %swap3A_713] {strides = array<i32>} : memref<80x16xf32, #tpu.memory_space<vmem>>, vector<1x16xf32>,
      %swap3A_715 = vector.shape_cast %swap3A_714 : vector<1x16xf32> to vector<16xf32>
      %swap3A_716 = vector.shape_cast %mul3A_710 : vector<16xf32> to vector<1x16xf32>
      tpu.vector_store %arg12[%swap3A_712, %swap3A_713], %swap3A_716 {strides = array<i32>} : memref<80x16xf32, #tpu.memory_space<vmem>>, vector<1x16xf32>,
      %get3A_717 = arith.constant 44 : i32
      %get3A_718 = arith.index_cast %get3A_717 : i32 to index
      %get3A_719 = arith.constant 0 : index
      %get3A_720 = tpu.vector_load %arg12[%get3A_718, %get3A_719] {strides = array<i32>} : memref<80x16xf32, #tpu.memory_space<vmem>>, vector<1x16xf32>,
      %get3A_721 = vector.shape_cast %get3A_720 : vector<1x16xf32> to vector<16xf32>
      %slice3A_722 = vector.extract_strided_slice %mul3A_536 {offsets = [12], sizes = [1], strides = [1]} : vector<16xf32> to vector<1xf32>
      %squeeze3A_723 = vector.extract %slice3A_722[0] : f32 from vector<1xf32>
      %mul3A_724 = vector.broadcast %squeeze3A_723 : f32 to vector<16xf32>
      %mul3A_725 = arith.mulf %get3A_721, %mul3A_724 : vector<16xf32>
      %swap3A_726 = arith.constant 44 : i32
      %swap3A_727 = arith.index_cast %swap3A_726 : i32 to index
      %swap3A_728 = arith.constant 0 : index
      %swap3A_729 = tpu.vector_load %arg12[%swap3A_727, %swap3A_728] {strides = array<i32>} : memref<80x16xf32, #tpu.memory_space<vmem>>, vector<1x16xf32>,
      %swap3A_730 = vector.shape_cast %swap3A_729 : vector<1x16xf32> to vector<16xf32>
      %swap3A_731 = vector.shape_cast %mul3A_725 : vector<16xf32> to vector<1x16xf32>
      tpu.vector_store %arg12[%swap3A_727, %swap3A_728], %swap3A_731 {strides = array<i32>} : memref<80x16xf32, #tpu.memory_space<vmem>>, vector<1x16xf32>,
      %get3A_732 = arith.constant 45 : i32
      %get3A_733 = arith.index_cast %get3A_732 : i32 to index
      %get3A_734 = arith.constant 0 : index
      %get3A_735 = tpu.vector_load %arg12[%get3A_733, %get3A_734] {strides = array<i32>} : memref<80x16xf32, #tpu.memory_space<vmem>>, vector<1x16xf32>,
      %get3A_736 = vector.shape_cast %get3A_735 : vector<1x16xf32> to vector<16xf32>
      %slice3A_737 = vector.extract_strided_slice %mul3A_536 {offsets = [13], sizes = [1], strides = [1]} : vector<16xf32> to vector<1xf32>
      %squeeze3A_738 = vector.extract %slice3A_737[0] : f32 from vector<1xf32>
      %mul3A_739 = vector.broadcast %squeeze3A_738 : f32 to vector<16xf32>
      %mul3A_740 = arith.mulf %get3A_736, %mul3A_739 : vector<16xf32>
      %swap3A_741 = arith.constant 45 : i32
      %swap3A_742 = arith.index_cast %swap3A_741 : i32 to index
      %swap3A_743 = arith.constant 0 : index
      %swap3A_744 = tpu.vector_load %arg12[%swap3A_742, %swap3A_743] {strides = array<i32>} : memref<80x16xf32, #tpu.memory_space<vmem>>, vector<1x16xf32>,
      %swap3A_745 = vector.shape_cast %swap3A_744 : vector<1x16xf32> to vector<16xf32>
      %swap3A_746 = vector.shape_cast %mul3A_740 : vector<16xf32> to vector<1x16xf32>
      tpu.vector_store %arg12[%swap3A_742, %swap3A_743], %swap3A_746 {strides = array<i32>} : memref<80x16xf32, #tpu.memory_space<vmem>>, vector<1x16xf32>,
      %get3A_747 = arith.constant 46 : i32
      %get3A_748 = arith.index_cast %get3A_747 : i32 to index
      %get3A_749 = arith.constant 0 : index
      %get3A_750 = tpu.vector_load %arg12[%get3A_748, %get3A_749] {strides = array<i32>} : memref<80x16xf32, #tpu.memory_space<vmem>>, vector<1x16xf32>,
      %get3A_751 = vector.shape_cast %get3A_750 : vector<1x16xf32> to vector<16xf32>
      %slice3A_752 = vector.extract_strided_slice %mul3A_536 {offsets = [14], sizes = [1], strides = [1]} : vector<16xf32> to vector<1xf32>
      %squeeze3A_753 = vector.extract %slice3A_752[0] : f32 from vector<1xf32>
      %mul3A_754 = vector.broadcast %squeeze3A_753 : f32 to vector<16xf32>
      %mul3A_755 = arith.mulf %get3A_751, %mul3A_754 : vector<16xf32>
      %swap3A_756 = arith.constant 46 : i32
      %swap3A_757 = arith.index_cast %swap3A_756 : i32 to index
      %swap3A_758 = arith.constant 0 : index
      %swap3A_759 = tpu.vector_load %arg12[%swap3A_757, %swap3A_758] {strides = array<i32>} : memref<80x16xf32, #tpu.memory_space<vmem>>, vector<1x16xf32>,
      %swap3A_760 = vector.shape_cast %swap3A_759 : vector<1x16xf32> to vector<16xf32>
      %swap3A_761 = vector.shape_cast %mul3A_755 : vector<16xf32> to vector<1x16xf32>
      tpu.vector_store %arg12[%swap3A_757, %swap3A_758], %swap3A_761 {strides = array<i32>} : memref<80x16xf32, #tpu.memory_space<vmem>>, vector<1x16xf32>,
      %get3A_762 = arith.constant 47 : i32
      %get3A_763 = arith.index_cast %get3A_762 : i32 to index
      %get3A_764 = arith.constant 0 : index
      %get3A_765 = tpu.vector_load %arg12[%get3A_763, %get3A_764] {strides = array<i32>} : memref<80x16xf32, #tpu.memory_space<vmem>>, vector<1x16xf32>,
      %get3A_766 = vector.shape_cast %get3A_765 : vector<1x16xf32> to vector<16xf32>
      %slice3A_767 = vector.extract_strided_slice %mul3A_536 {offsets = [15], sizes = [1], strides = [1]} : vector<16xf32> to vector<1xf32>
      %squeeze3A_768 = vector.extract %slice3A_767[0] : f32 from vector<1xf32>
      %mul3A_769 = vector.broadcast %squeeze3A_768 : f32 to vector<16xf32>
      %mul3A_770 = arith.mulf %get3A_766, %mul3A_769 : vector<16xf32>
      %swap3A_771 = arith.constant 47 : i32
      %swap3A_772 = arith.index_cast %swap3A_771 : i32 to index
      %swap3A_773 = arith.constant 0 : index
      %swap3A_774 = tpu.vector_load %arg12[%swap3A_772, %swap3A_773] {strides = array<i32>} : memref<80x16xf32, #tpu.memory_space<vmem>>, vector<1x16xf32>,
      %swap3A_775 = vector.shape_cast %swap3A_774 : vector<1x16xf32> to vector<16xf32>
      %swap3A_776 = vector.shape_cast %mul3A_770 : vector<16xf32> to vector<1x16xf32>
      tpu.vector_store %arg12[%swap3A_772, %swap3A_773], %swap3A_776 {strides = array<i32>} : memref<80x16xf32, #tpu.memory_space<vmem>>, vector<1x16xf32>,
      %get3A_777 = arith.constant 48 : index
      %get3A_778 = tpu.vector_load %arg13[%get3A_777] {strides = array<i32>} : memref<80xf32, #tpu.memory_space<vmem>>, vector<16xf32>,
      %get3A_779 = vector.shape_cast %get3A_778 : vector<16xf32> to vector<16xf32>
      %get3A_780 = arith.constant 48 : index
      %get3A_781 = tpu.vector_load %arg11[%get3A_780] {strides = array<i32>} : memref<80xf32, #tpu.memory_space<vmem>>, vector<16xf32>,
      %get3A_782 = vector.shape_cast %get3A_781 : vector<16xf32> to vector<16xf32>
      %mul3A_783 = arith.mulf %get3A_779, %get3A_782 : vector<16xf32>
      %get3A_784 = arith.constant 48 : index
      %get3A_785 = tpu.vector_load %arg14[%get3A_784] {strides = array<i32>} : memref<80xf32, #tpu.memory_space<vmem>>, vector<16xf32>,
      %get3A_786 = vector.shape_cast %get3A_785 : vector<16xf32> to vector<16xf32>
      %mul3A_787 = arith.mulf %mul3A_783, %get3A_786 : vector<16xf32>
      %get3A_788 = arith.constant 48 : i32
      %get3A_789 = arith.index_cast %get3A_788 : i32 to index
      %get3A_790 = arith.constant 0 : index
      %get3A_791 = tpu.vector_load %arg12[%get3A_789, %get3A_790] {strides = array<i32>} : memref<80x16xf32, #tpu.memory_space<vmem>>, vector<1x16xf32>,
      %get3A_792 = vector.shape_cast %get3A_791 : vector<1x16xf32> to vector<16xf32>
      %slice3A_793 = vector.extract_strided_slice %mul3A_787 {offsets = [0], sizes = [1], strides = [1]} : vector<16xf32> to vector<1xf32>
      %squeeze3A_794 = vector.extract %slice3A_793[0] : f32 from vector<1xf32>
      %mul3A_795 = vector.broadcast %squeeze3A_794 : f32 to vector<16xf32>
      %mul3A_796 = arith.mulf %get3A_792, %mul3A_795 : vector<16xf32>
      %swap3A_797 = arith.constant 48 : i32
      %swap3A_798 = arith.index_cast %swap3A_797 : i32 to index
      %swap3A_799 = arith.constant 0 : index
      %swap3A_800 = tpu.vector_load %arg12[%swap3A_798, %swap3A_799] {strides = array<i32>} : memref<80x16xf32, #tpu.memory_space<vmem>>, vector<1x16xf32>,
      %swap3A_801 = vector.shape_cast %swap3A_800 : vector<1x16xf32> to vector<16xf32>
      %swap3A_802 = vector.shape_cast %mul3A_796 : vector<16xf32> to vector<1x16xf32>
      tpu.vector_store %arg12[%swap3A_798, %swap3A_799], %swap3A_802 {strides = array<i32>} : memref<80x16xf32, #tpu.memory_space<vmem>>, vector<1x16xf32>,
      %get3A_803 = arith.constant 49 : i32
      %get3A_804 = arith.index_cast %get3A_803 : i32 to index
      %get3A_805 = arith.constant 0 : index
      %get3A_806 = tpu.vector_load %arg12[%get3A_804, %get3A_805] {strides = array<i32>} : memref<80x16xf32, #tpu.memory_space<vmem>>, vector<1x16xf32>,
      %get3A_807 = vector.shape_cast %get3A_806 : vector<1x16xf32> to vector<16xf32>
      %slice3A_808 = vector.extract_strided_slice %mul3A_787 {offsets = [1], sizes = [1], strides = [1]} : vector<16xf32> to vector<1xf32>
      %squeeze3A_809 = vector.extract %slice3A_808[0] : f32 from vector<1xf32>
      %mul3A_810 = vector.broadcast %squeeze3A_809 : f32 to vector<16xf32>
      %mul3A_811 = arith.mulf %get3A_807, %mul3A_810 : vector<16xf32>
      %swap3A_812 = arith.constant 49 : i32
      %swap3A_813 = arith.index_cast %swap3A_812 : i32 to index
      %swap3A_814 = arith.constant 0 : index
      %swap3A_815 = tpu.vector_load %arg12[%swap3A_813, %swap3A_814] {strides = array<i32>} : memref<80x16xf32, #tpu.memory_space<vmem>>, vector<1x16xf32>,
      %swap3A_816 = vector.shape_cast %swap3A_815 : vector<1x16xf32> to vector<16xf32>
      %swap3A_817 = vector.shape_cast %mul3A_811 : vector<16xf32> to vector<1x16xf32>
      tpu.vector_store %arg12[%swap3A_813, %swap3A_814], %swap3A_817 {strides = array<i32>} : memref<80x16xf32, #tpu.memory_space<vmem>>, vector<1x16xf32>,
      %get3A_818 = arith.constant 50 : i32
      %get3A_819 = arith.index_cast %get3A_818 : i32 to index
      %get3A_820 = arith.constant 0 : index
      %get3A_821 = tpu.vector_load %arg12[%get3A_819, %get3A_820] {strides = array<i32>} : memref<80x16xf32, #tpu.memory_space<vmem>>, vector<1x16xf32>,
      %get3A_822 = vector.shape_cast %get3A_821 : vector<1x16xf32> to vector<16xf32>
      %slice3A_823 = vector.extract_strided_slice %mul3A_787 {offsets = [2], sizes = [1], strides = [1]} : vector<16xf32> to vector<1xf32>
      %squeeze3A_824 = vector.extract %slice3A_823[0] : f32 from vector<1xf32>
      %mul3A_825 = vector.broadcast %squeeze3A_824 : f32 to vector<16xf32>
      %mul3A_826 = arith.mulf %get3A_822, %mul3A_825 : vector<16xf32>
      %swap3A_827 = arith.constant 50 : i32
      %swap3A_828 = arith.index_cast %swap3A_827 : i32 to index
      %swap3A_829 = arith.constant 0 : index
      %swap3A_830 = tpu.vector_load %arg12[%swap3A_828, %swap3A_829] {strides = array<i32>} : memref<80x16xf32, #tpu.memory_space<vmem>>, vector<1x16xf32>,
      %swap3A_831 = vector.shape_cast %swap3A_830 : vector<1x16xf32> to vector<16xf32>
      %swap3A_832 = vector.shape_cast %mul3A_826 : vector<16xf32> to vector<1x16xf32>
      tpu.vector_store %arg12[%swap3A_828, %swap3A_829], %swap3A_832 {strides = array<i32>} : memref<80x16xf32, #tpu.memory_space<vmem>>, vector<1x16xf32>,
      %get3A_833 = arith.constant 51 : i32
      %get3A_834 = arith.index_cast %get3A_833 : i32 to index
      %get3A_835 = arith.constant 0 : index
      %get3A_836 = tpu.vector_load %arg12[%get3A_834, %get3A_835] {strides = array<i32>} : memref<80x16xf32, #tpu.memory_space<vmem>>, vector<1x16xf32>,
      %get3A_837 = vector.shape_cast %get3A_836 : vector<1x16xf32> to vector<16xf32>
      %slice3A_838 = vector.extract_strided_slice %mul3A_787 {offsets = [3], sizes = [1], strides = [1]} : vector<16xf32> to vector<1xf32>
      %squeeze3A_839 = vector.extract %slice3A_838[0] : f32 from vector<1xf32>
      %mul3A_840 = vector.broadcast %squeeze3A_839 : f32 to vector<16xf32>
      %mul3A_841 = arith.mulf %get3A_837, %mul3A_840 : vector<16xf32>
      %swap3A_842 = arith.constant 51 : i32
      %swap3A_843 = arith.index_cast %swap3A_842 : i32 to index
      %swap3A_844 = arith.constant 0 : index
      %swap3A_845 = tpu.vector_load %arg12[%swap3A_843, %swap3A_844] {strides = array<i32>} : memref<80x16xf32, #tpu.memory_space<vmem>>, vector<1x16xf32>,
      %swap3A_846 = vector.shape_cast %swap3A_845 : vector<1x16xf32> to vector<16xf32>
      %swap3A_847 = vector.shape_cast %mul3A_841 : vector<16xf32> to vector<1x16xf32>
      tpu.vector_store %arg12[%swap3A_843, %swap3A_844], %swap3A_847 {strides = array<i32>} : memref<80x16xf32, #tpu.memory_space<vmem>>, vector<1x16xf32>,
      %get3A_848 = arith.constant 52 : i32
      %get3A_849 = arith.index_cast %get3A_848 : i32 to index
      %get3A_850 = arith.constant 0 : index
      %get3A_851 = tpu.vector_load %arg12[%get3A_849, %get3A_850] {strides = array<i32>} : memref<80x16xf32, #tpu.memory_space<vmem>>, vector<1x16xf32>,
      %get3A_852 = vector.shape_cast %get3A_851 : vector<1x16xf32> to vector<16xf32>
      %slice3A_853 = vector.extract_strided_slice %mul3A_787 {offsets = [4], sizes = [1], strides = [1]} : vector<16xf32> to vector<1xf32>
      %squeeze3A_854 = vector.extract %slice3A_853[0] : f32 from vector<1xf32>
      %mul3A_855 = vector.broadcast %squeeze3A_854 : f32 to vector<16xf32>
      %mul3A_856 = arith.mulf %get3A_852, %mul3A_855 : vector<16xf32>
      %swap3A_857 = arith.constant 52 : i32
      %swap3A_858 = arith.index_cast %swap3A_857 : i32 to index
      %swap3A_859 = arith.constant 0 : index
      %swap3A_860 = tpu.vector_load %arg12[%swap3A_858, %swap3A_859] {strides = array<i32>} : memref<80x16xf32, #tpu.memory_space<vmem>>, vector<1x16xf32>,
      %swap3A_861 = vector.shape_cast %swap3A_860 : vector<1x16xf32> to vector<16xf32>
      %swap3A_862 = vector.shape_cast %mul3A_856 : vector<16xf32> to vector<1x16xf32>
      tpu.vector_store %arg12[%swap3A_858, %swap3A_859], %swap3A_862 {strides = array<i32>} : memref<80x16xf32, #tpu.memory_space<vmem>>, vector<1x16xf32>,
      %get3A_863 = arith.constant 53 : i32
      %get3A_864 = arith.index_cast %get3A_863 : i32 to index
      %get3A_865 = arith.constant 0 : index
      %get3A_866 = tpu.vector_load %arg12[%get3A_864, %get3A_865] {strides = array<i32>} : memref<80x16xf32, #tpu.memory_space<vmem>>, vector<1x16xf32>,
      %get3A_867 = vector.shape_cast %get3A_866 : vector<1x16xf32> to vector<16xf32>
      %slice3A_868 = vector.extract_strided_slice %mul3A_787 {offsets = [5], sizes = [1], strides = [1]} : vector<16xf32> to vector<1xf32>
      %squeeze3A_869 = vector.extract %slice3A_868[0] : f32 from vector<1xf32>
      %mul3A_870 = vector.broadcast %squeeze3A_869 : f32 to vector<16xf32>
      %mul3A_871 = arith.mulf %get3A_867, %mul3A_870 : vector<16xf32>
      %swap3A_872 = arith.constant 53 : i32
      %swap3A_873 = arith.index_cast %swap3A_872 : i32 to index
      %swap3A_874 = arith.constant 0 : index
      %swap3A_875 = tpu.vector_load %arg12[%swap3A_873, %swap3A_874] {strides = array<i32>} : memref<80x16xf32, #tpu.memory_space<vmem>>, vector<1x16xf32>,
      %swap3A_876 = vector.shape_cast %swap3A_875 : vector<1x16xf32> to vector<16xf32>
      %swap3A_877 = vector.shape_cast %mul3A_871 : vector<16xf32> to vector<1x16xf32>
      tpu.vector_store %arg12[%swap3A_873, %swap3A_874], %swap3A_877 {strides = array<i32>} : memref<80x16xf32, #tpu.memory_space<vmem>>, vector<1x16xf32>,
      %get3A_878 = arith.constant 54 : i32
      %get3A_879 = arith.index_cast %get3A_878 : i32 to index
      %get3A_880 = arith.constant 0 : index
      %get3A_881 = tpu.vector_load %arg12[%get3A_879, %get3A_880] {strides = array<i32>} : memref<80x16xf32, #tpu.memory_space<vmem>>, vector<1x16xf32>,
      %get3A_882 = vector.shape_cast %get3A_881 : vector<1x16xf32> to vector<16xf32>
      %slice3A_883 = vector.extract_strided_slice %mul3A_787 {offsets = [6], sizes = [1], strides = [1]} : vector<16xf32> to vector<1xf32>
      %squeeze3A_884 = vector.extract %slice3A_883[0] : f32 from vector<1xf32>
      %mul3A_885 = vector.broadcast %squeeze3A_884 : f32 to vector<16xf32>
      %mul3A_886 = arith.mulf %get3A_882, %mul3A_885 : vector<16xf32>
      %swap3A_887 = arith.constant 54 : i32
      %swap3A_888 = arith.index_cast %swap3A_887 : i32 to index
      %swap3A_889 = arith.constant 0 : index
      %swap3A_890 = tpu.vector_load %arg12[%swap3A_888, %swap3A_889] {strides = array<i32>} : memref<80x16xf32, #tpu.memory_space<vmem>>, vector<1x16xf32>,
      %swap3A_891 = vector.shape_cast %swap3A_890 : vector<1x16xf32> to vector<16xf32>
      %swap3A_892 = vector.shape_cast %mul3A_886 : vector<16xf32> to vector<1x16xf32>
      tpu.vector_store %arg12[%swap3A_888, %swap3A_889], %swap3A_892 {strides = array<i32>} : memref<80x16xf32, #tpu.memory_space<vmem>>, vector<1x16xf32>,
      %get3A_893 = arith.constant 55 : i32
      %get3A_894 = arith.index_cast %get3A_893 : i32 to index
      %get3A_895 = arith.constant 0 : index
      %get3A_896 = tpu.vector_load %arg12[%get3A_894, %get3A_895] {strides = array<i32>} : memref<80x16xf32, #tpu.memory_space<vmem>>, vector<1x16xf32>,
      %get3A_897 = vector.shape_cast %get3A_896 : vector<1x16xf32> to vector<16xf32>
      %slice3A_898 = vector.extract_strided_slice %mul3A_787 {offsets = [7], sizes = [1], strides = [1]} : vector<16xf32> to vector<1xf32>
      %squeeze3A_899 = vector.extract %slice3A_898[0] : f32 from vector<1xf32>
      %mul3A_900 = vector.broadcast %squeeze3A_899 : f32 to vector<16xf32>
      %mul3A_901 = arith.mulf %get3A_897, %mul3A_900 : vector<16xf32>
      %swap3A_902 = arith.constant 55 : i32
      %swap3A_903 = arith.index_cast %swap3A_902 : i32 to index
      %swap3A_904 = arith.constant 0 : index
      %swap3A_905 = tpu.vector_load %arg12[%swap3A_903, %swap3A_904] {strides = array<i32>} : memref<80x16xf32, #tpu.memory_space<vmem>>, vector<1x16xf32>,
      %swap3A_906 = vector.shape_cast %swap3A_905 : vector<1x16xf32> to vector<16xf32>
      %swap3A_907 = vector.shape_cast %mul3A_901 : vector<16xf32> to vector<1x16xf32>
      tpu.vector_store %arg12[%swap3A_903, %swap3A_904], %swap3A_907 {strides = array<i32>} : memref<80x16xf32, #tpu.memory_space<vmem>>, vector<1x16xf32>,
      %get3A_908 = arith.constant 56 : i32
      %get3A_909 = arith.index_cast %get3A_908 : i32 to index
      %get3A_910 = arith.constant 0 : index
      %get3A_911 = tpu.vector_load %arg12[%get3A_909, %get3A_910] {strides = array<i32>} : memref<80x16xf32, #tpu.memory_space<vmem>>, vector<1x16xf32>,
      %get3A_912 = vector.shape_cast %get3A_911 : vector<1x16xf32> to vector<16xf32>
      %slice3A_913 = vector.extract_strided_slice %mul3A_787 {offsets = [8], sizes = [1], strides = [1]} : vector<16xf32> to vector<1xf32>
      %squeeze3A_914 = vector.extract %slice3A_913[0] : f32 from vector<1xf32>
      %mul3A_915 = vector.broadcast %squeeze3A_914 : f32 to vector<16xf32>
      %mul3A_916 = arith.mulf %get3A_912, %mul3A_915 : vector<16xf32>
      %swap3A_917 = arith.constant 56 : i32
      %swap3A_918 = arith.index_cast %swap3A_917 : i32 to index
      %swap3A_919 = arith.constant 0 : index
      %swap3A_920 = tpu.vector_load %arg12[%swap3A_918, %swap3A_919] {strides = array<i32>} : memref<80x16xf32, #tpu.memory_space<vmem>>, vector<1x16xf32>,
      %swap3A_921 = vector.shape_cast %swap3A_920 : vector<1x16xf32> to vector<16xf32>
      %swap3A_922 = vector.shape_cast %mul3A_916 : vector<16xf32> to vector<1x16xf32>
      tpu.vector_store %arg12[%swap3A_918, %swap3A_919], %swap3A_922 {strides = array<i32>} : memref<80x16xf32, #tpu.memory_space<vmem>>, vector<1x16xf32>,
      %get3A_923 = arith.constant 57 : i32
      %get3A_924 = arith.index_cast %get3A_923 : i32 to index
      %get3A_925 = arith.constant 0 : index
      %get3A_926 = tpu.vector_load %arg12[%get3A_924, %get3A_925] {strides = array<i32>} : memref<80x16xf32, #tpu.memory_space<vmem>>, vector<1x16xf32>,
      %get3A_927 = vector.shape_cast %get3A_926 : vector<1x16xf32> to vector<16xf32>
      %slice3A_928 = vector.extract_strided_slice %mul3A_787 {offsets = [9], sizes = [1], strides = [1]} : vector<16xf32> to vector<1xf32>
      %squeeze3A_929 = vector.extract %slice3A_928[0] : f32 from vector<1xf32>
      %mul3A_930 = vector.broadcast %squeeze3A_929 : f32 to vector<16xf32>
      %mul3A_931 = arith.mulf %get3A_927, %mul3A_930 : vector<16xf32>
      %swap3A_932 = arith.constant 57 : i32
      %swap3A_933 = arith.index_cast %swap3A_932 : i32 to index
      %swap3A_934 = arith.constant 0 : index
      %swap3A_935 = tpu.vector_load %arg12[%swap3A_933, %swap3A_934] {strides = array<i32>} : memref<80x16xf32, #tpu.memory_space<vmem>>, vector<1x16xf32>,
      %swap3A_936 = vector.shape_cast %swap3A_935 : vector<1x16xf32> to vector<16xf32>
      %swap3A_937 = vector.shape_cast %mul3A_931 : vector<16xf32> to vector<1x16xf32>
      tpu.vector_store %arg12[%swap3A_933, %swap3A_934], %swap3A_937 {strides = array<i32>} : memref<80x16xf32, #tpu.memory_space<vmem>>, vector<1x16xf32>,
      %get3A_938 = arith.constant 58 : i32
      %get3A_939 = arith.index_cast %get3A_938 : i32 to index
      %get3A_940 = arith.constant 0 : index
      %get3A_941 = tpu.vector_load %arg12[%get3A_939, %get3A_940] {strides = array<i32>} : memref<80x16xf32, #tpu.memory_space<vmem>>, vector<1x16xf32>,
      %get3A_942 = vector.shape_cast %get3A_941 : vector<1x16xf32> to vector<16xf32>
      %slice3A_943 = vector.extract_strided_slice %mul3A_787 {offsets = [10], sizes = [1], strides = [1]} : vector<16xf32> to vector<1xf32>
      %squeeze3A_944 = vector.extract %slice3A_943[0] : f32 from vector<1xf32>
      %mul3A_945 = vector.broadcast %squeeze3A_944 : f32 to vector<16xf32>
      %mul3A_946 = arith.mulf %get3A_942, %mul3A_945 : vector<16xf32>
      %swap3A_947 = arith.constant 58 : i32
      %swap3A_948 = arith.index_cast %swap3A_947 : i32 to index
      %swap3A_949 = arith.constant 0 : index
      %swap3A_950 = tpu.vector_load %arg12[%swap3A_948, %swap3A_949] {strides = array<i32>} : memref<80x16xf32, #tpu.memory_space<vmem>>, vector<1x16xf32>,
      %swap3A_951 = vector.shape_cast %swap3A_950 : vector<1x16xf32> to vector<16xf32>
      %swap3A_952 = vector.shape_cast %mul3A_946 : vector<16xf32> to vector<1x16xf32>
      tpu.vector_store %arg12[%swap3A_948, %swap3A_949], %swap3A_952 {strides = array<i32>} : memref<80x16xf32, #tpu.memory_space<vmem>>, vector<1x16xf32>,
      %get3A_953 = arith.constant 59 : i32
      %get3A_954 = arith.index_cast %get3A_953 : i32 to index
      %get3A_955 = arith.constant 0 : index
      %get3A_956 = tpu.vector_load %arg12[%get3A_954, %get3A_955] {strides = array<i32>} : memref<80x16xf32, #tpu.memory_space<vmem>>, vector<1x16xf32>,
      %get3A_957 = vector.shape_cast %get3A_956 : vector<1x16xf32> to vector<16xf32>
      %slice3A_958 = vector.extract_strided_slice %mul3A_787 {offsets = [11], sizes = [1], strides = [1]} : vector<16xf32> to vector<1xf32>
      %squeeze3A_959 = vector.extract %slice3A_958[0] : f32 from vector<1xf32>
      %mul3A_960 = vector.broadcast %squeeze3A_959 : f32 to vector<16xf32>
      %mul3A_961 = arith.mulf %get3A_957, %mul3A_960 : vector<16xf32>
      %swap3A_962 = arith.constant 59 : i32
      %swap3A_963 = arith.index_cast %swap3A_962 : i32 to index
      %swap3A_964 = arith.constant 0 : index
      %swap3A_965 = tpu.vector_load %arg12[%swap3A_963, %swap3A_964] {strides = array<i32>} : memref<80x16xf32, #tpu.memory_space<vmem>>, vector<1x16xf32>,
      %swap3A_966 = vector.shape_cast %swap3A_965 : vector<1x16xf32> to vector<16xf32>
      %swap3A_967 = vector.shape_cast %mul3A_961 : vector<16xf32> to vector<1x16xf32>
      tpu.vector_store %arg12[%swap3A_963, %swap3A_964], %swap3A_967 {strides = array<i32>} : memref<80x16xf32, #tpu.memory_space<vmem>>, vector<1x16xf32>,
      %get3A_968 = arith.constant 60 : i32
      %get3A_969 = arith.index_cast %get3A_968 : i32 to index
      %get3A_970 = arith.constant 0 : index
      %get3A_971 = tpu.vector_load %arg12[%get3A_969, %get3A_970] {strides = array<i32>} : memref<80x16xf32, #tpu.memory_space<vmem>>, vector<1x16xf32>,
      %get3A_972 = vector.shape_cast %get3A_971 : vector<1x16xf32> to vector<16xf32>
      %slice3A_973 = vector.extract_strided_slice %mul3A_787 {offsets = [12], sizes = [1], strides = [1]} : vector<16xf32> to vector<1xf32>
      %squeeze3A_974 = vector.extract %slice3A_973[0] : f32 from vector<1xf32>
      %mul3A_975 = vector.broadcast %squeeze3A_974 : f32 to vector<16xf32>
      %mul3A_976 = arith.mulf %get3A_972, %mul3A_975 : vector<16xf32>
      %swap3A_977 = arith.constant 60 : i32
      %swap3A_978 = arith.index_cast %swap3A_977 : i32 to index
      %swap3A_979 = arith.constant 0 : index
      %swap3A_980 = tpu.vector_load %arg12[%swap3A_978, %swap3A_979] {strides = array<i32>} : memref<80x16xf32, #tpu.memory_space<vmem>>, vector<1x16xf32>,
      %swap3A_981 = vector.shape_cast %swap3A_980 : vector<1x16xf32> to vector<16xf32>
      %swap3A_982 = vector.shape_cast %mul3A_976 : vector<16xf32> to vector<1x16xf32>
      tpu.vector_store %arg12[%swap3A_978, %swap3A_979], %swap3A_982 {strides = array<i32>} : memref<80x16xf32, #tpu.memory_space<vmem>>, vector<1x16xf32>,
      %get3A_983 = arith.constant 61 : i32
      %get3A_984 = arith.index_cast %get3A_983 : i32 to index
      %get3A_985 = arith.constant 0 : index
      %get3A_986 = tpu.vector_load %arg12[%get3A_984, %get3A_985] {strides = array<i32>} : memref<80x16xf32, #tpu.memory_space<vmem>>, vector<1x16xf32>,
      %get3A_987 = vector.shape_cast %get3A_986 : vector<1x16xf32> to vector<16xf32>
      %slice3A_988 = vector.extract_strided_slice %mul3A_787 {offsets = [13], sizes = [1], strides = [1]} : vector<16xf32> to vector<1xf32>
      %squeeze3A_989 = vector.extract %slice3A_988[0] : f32 from vector<1xf32>
      %mul3A_990 = vector.broadcast %squeeze3A_989 : f32 to vector<16xf32>
      %mul3A_991 = arith.mulf %get3A_987, %mul3A_990 : vector<16xf32>
      %swap3A_992 = arith.constant 61 : i32
      %swap3A_993 = arith.index_cast %swap3A_992 : i32 to index
      %swap3A_994 = arith.constant 0 : index
      %swap3A_995 = tpu.vector_load %arg12[%swap3A_993, %swap3A_994] {strides = array<i32>} : memref<80x16xf32, #tpu.memory_space<vmem>>, vector<1x16xf32>,
      %swap3A_996 = vector.shape_cast %swap3A_995 : vector<1x16xf32> to vector<16xf32>
      %swap3A_997 = vector.shape_cast %mul3A_991 : vector<16xf32> to vector<1x16xf32>
      tpu.vector_store %arg12[%swap3A_993, %swap3A_994], %swap3A_997 {strides = array<i32>} : memref<80x16xf32, #tpu.memory_space<vmem>>, vector<1x16xf32>,
      %get3A_998 = arith.constant 62 : i32
      %get3A_999 = arith.index_cast %get3A_998 : i32 to index
      %get3A_1000 = arith.constant 0 : index
      %get3A_1001 = tpu.vector_load %arg12[%get3A_999, %get3A_1000] {strides = array<i32>} : memref<80x16xf32, #tpu.memory_space<vmem>>, vector<1x16xf32>,
      %get3A_1002 = vector.shape_cast %get3A_1001 : vector<1x16xf32> to vector<16xf32>
      %slice3A_1003 = vector.extract_strided_slice %mul3A_787 {offsets = [14], sizes = [1], strides = [1]} : vector<16xf32> to vector<1xf32>
      %squeeze3A_1004 = vector.extract %slice3A_1003[0] : f32 from vector<1xf32>
      %mul3A_1005 = vector.broadcast %squeeze3A_1004 : f32 to vector<16xf32>
      %mul3A_1006 = arith.mulf %get3A_1002, %mul3A_1005 : vector<16xf32>
      %swap3A_1007 = arith.constant 62 : i32
      %swap3A_1008 = arith.index_cast %swap3A_1007 : i32 to index
      %swap3A_1009 = arith.constant 0 : index
      %swap3A_1010 = tpu.vector_load %arg12[%swap3A_1008, %swap3A_1009] {strides = array<i32>} : memref<80x16xf32, #tpu.memory_space<vmem>>, vector<1x16xf32>,
      %swap3A_1011 = vector.shape_cast %swap3A_1010 : vector<1x16xf32> to vector<16xf32>
      %swap3A_1012 = vector.shape_cast %mul3A_1006 : vector<16xf32> to vector<1x16xf32>
      tpu.vector_store %arg12[%swap3A_1008, %swap3A_1009], %swap3A_1012 {strides = array<i32>} : memref<80x16xf32, #tpu.memory_space<vmem>>, vector<1x16xf32>,
      %get3A_1013 = arith.constant 63 : i32
      %get3A_1014 = arith.index_cast %get3A_1013 : i32 to index
      %get3A_1015 = arith.constant 0 : index
      %get3A_1016 = tpu.vector_load %arg12[%get3A_1014, %get3A_1015] {strides = array<i32>} : memref<80x16xf32, #tpu.memory_space<vmem>>, vector<1x16xf32>,
      %get3A_1017 = vector.shape_cast %get3A_1016 : vector<1x16xf32> to vector<16xf32>
      %slice3A_1018 = vector.extract_strided_slice %mul3A_787 {offsets = [15], sizes = [1], strides = [1]} : vector<16xf32> to vector<1xf32>
      %squeeze3A_1019 = vector.extract %slice3A_1018[0] : f32 from vector<1xf32>
      %mul3A_1020 = vector.broadcast %squeeze3A_1019 : f32 to vector<16xf32>
      %mul3A_1021 = arith.mulf %get3A_1017, %mul3A_1020 : vector<16xf32>
      %swap3A_1022 = arith.constant 63 : i32
      %swap3A_1023 = arith.index_cast %swap3A_1022 : i32 to index
      %swap3A_1024 = arith.constant 0 : index
      %swap3A_1025 = tpu.vector_load %arg12[%swap3A_1023, %swap3A_1024] {strides = array<i32>} : memref<80x16xf32, #tpu.memory_space<vmem>>, vector<1x16xf32>,
      %swap3A_1026 = vector.shape_cast %swap3A_1025 : vector<1x16xf32> to vector<16xf32>
      %swap3A_1027 = vector.shape_cast %mul3A_1021 : vector<16xf32> to vector<1x16xf32>
      tpu.vector_store %arg12[%swap3A_1023, %swap3A_1024], %swap3A_1027 {strides = array<i32>} : memref<80x16xf32, #tpu.memory_space<vmem>>, vector<1x16xf32>,
      %get3A_1028 = arith.constant 64 : index
      %get3A_1029 = tpu.vector_load %arg13[%get3A_1028] {strides = array<i32>} : memref<80xf32, #tpu.memory_space<vmem>>, vector<16xf32>,
      %get3A_1030 = vector.shape_cast %get3A_1029 : vector<16xf32> to vector<16xf32>
      %get3A_1031 = arith.constant 64 : index
      %get3A_1032 = tpu.vector_load %arg11[%get3A_1031] {strides = array<i32>} : memref<80xf32, #tpu.memory_space<vmem>>, vector<16xf32>,
      %get3A_1033 = vector.shape_cast %get3A_1032 : vector<16xf32> to vector<16xf32>
      %mul3A_1034 = arith.mulf %get3A_1030, %get3A_1033 : vector<16xf32>
      %get3A_1035 = arith.constant 64 : index
      %get3A_1036 = tpu.vector_load %arg14[%get3A_1035] {strides = array<i32>} : memref<80xf32, #tpu.memory_space<vmem>>, vector<16xf32>,
      %get3A_1037 = vector.shape_cast %get3A_1036 : vector<16xf32> to vector<16xf32>
      %mul3A_1038 = arith.mulf %mul3A_1034, %get3A_1037 : vector<16xf32>
      %get3A_1039 = arith.constant 64 : i32
      %get3A_1040 = arith.index_cast %get3A_1039 : i32 to index
      %get3A_1041 = arith.constant 0 : index
      %get3A_1042 = tpu.vector_load %arg12[%get3A_1040, %get3A_1041] {strides = array<i32>} : memref<80x16xf32, #tpu.memory_space<vmem>>, vector<1x16xf32>,
      %get3A_1043 = vector.shape_cast %get3A_1042 : vector<1x16xf32> to vector<16xf32>
      %slice3A_1044 = vector.extract_strided_slice %mul3A_1038 {offsets = [0], sizes = [1], strides = [1]} : vector<16xf32> to vector<1xf32>
      %squeeze3A_1045 = vector.extract %slice3A_1044[0] : f32 from vector<1xf32>
      %mul3A_1046 = vector.broadcast %squeeze3A_1045 : f32 to vector<16xf32>
      %mul3A_1047 = arith.mulf %get3A_1043, %mul3A_1046 : vector<16xf32>
      %swap3A_1048 = arith.constant 64 : i32
      %swap3A_1049 = arith.index_cast %swap3A_1048 : i32 to index
      %swap3A_1050 = arith.constant 0 : index
      %swap3A_1051 = tpu.vector_load %arg12[%swap3A_1049, %swap3A_1050] {strides = array<i32>} : memref<80x16xf32, #tpu.memory_space<vmem>>, vector<1x16xf32>,
      %swap3A_1052 = vector.shape_cast %swap3A_1051 : vector<1x16xf32> to vector<16xf32>
      %swap3A_1053 = vector.shape_cast %mul3A_1047 : vector<16xf32> to vector<1x16xf32>
      tpu.vector_store %arg12[%swap3A_1049, %swap3A_1050], %swap3A_1053 {strides = array<i32>} : memref<80x16xf32, #tpu.memory_space<vmem>>, vector<1x16xf32>,
      %get3A_1054 = arith.constant 65 : i32
      %get3A_1055 = arith.index_cast %get3A_1054 : i32 to index
      %get3A_1056 = arith.constant 0 : index
      %get3A_1057 = tpu.vector_load %arg12[%get3A_1055, %get3A_1056] {strides = array<i32>} : memref<80x16xf32, #tpu.memory_space<vmem>>, vector<1x16xf32>,
      %get3A_1058 = vector.shape_cast %get3A_1057 : vector<1x16xf32> to vector<16xf32>
      %slice3A_1059 = vector.extract_strided_slice %mul3A_1038 {offsets = [1], sizes = [1], strides = [1]} : vector<16xf32> to vector<1xf32>
      %squeeze3A_1060 = vector.extract %slice3A_1059[0] : f32 from vector<1xf32>
      %mul3A_1061 = vector.broadcast %squeeze3A_1060 : f32 to vector<16xf32>
      %mul3A_1062 = arith.mulf %get3A_1058, %mul3A_1061 : vector<16xf32>
      %swap3A_1063 = arith.constant 65 : i32
      %swap3A_1064 = arith.index_cast %swap3A_1063 : i32 to index
      %swap3A_1065 = arith.constant 0 : index
      %swap3A_1066 = tpu.vector_load %arg12[%swap3A_1064, %swap3A_1065] {strides = array<i32>} : memref<80x16xf32, #tpu.memory_space<vmem>>, vector<1x16xf32>,
      %swap3A_1067 = vector.shape_cast %swap3A_1066 : vector<1x16xf32> to vector<16xf32>
      %swap3A_1068 = vector.shape_cast %mul3A_1062 : vector<16xf32> to vector<1x16xf32>
      tpu.vector_store %arg12[%swap3A_1064, %swap3A_1065], %swap3A_1068 {strides = array<i32>} : memref<80x16xf32, #tpu.memory_space<vmem>>, vector<1x16xf32>,
      %get3A_1069 = arith.constant 66 : i32
      %get3A_1070 = arith.index_cast %get3A_1069 : i32 to index
      %get3A_1071 = arith.constant 0 : index
      %get3A_1072 = tpu.vector_load %arg12[%get3A_1070, %get3A_1071] {strides = array<i32>} : memref<80x16xf32, #tpu.memory_space<vmem>>, vector<1x16xf32>,
      %get3A_1073 = vector.shape_cast %get3A_1072 : vector<1x16xf32> to vector<16xf32>
      %slice3A_1074 = vector.extract_strided_slice %mul3A_1038 {offsets = [2], sizes = [1], strides = [1]} : vector<16xf32> to vector<1xf32>
      %squeeze3A_1075 = vector.extract %slice3A_1074[0] : f32 from vector<1xf32>
      %mul3A_1076 = vector.broadcast %squeeze3A_1075 : f32 to vector<16xf32>
      %mul3A_1077 = arith.mulf %get3A_1073, %mul3A_1076 : vector<16xf32>
      %swap3A_1078 = arith.constant 66 : i32
      %swap3A_1079 = arith.index_cast %swap3A_1078 : i32 to index
      %swap3A_1080 = arith.constant 0 : index
      %swap3A_1081 = tpu.vector_load %arg12[%swap3A_1079, %swap3A_1080] {strides = array<i32>} : memref<80x16xf32, #tpu.memory_space<vmem>>, vector<1x16xf32>,
      %swap3A_1082 = vector.shape_cast %swap3A_1081 : vector<1x16xf32> to vector<16xf32>
      %swap3A_1083 = vector.shape_cast %mul3A_1077 : vector<16xf32> to vector<1x16xf32>
      tpu.vector_store %arg12[%swap3A_1079, %swap3A_1080], %swap3A_1083 {strides = array<i32>} : memref<80x16xf32, #tpu.memory_space<vmem>>, vector<1x16xf32>,
      %get3A_1084 = arith.constant 67 : i32
      %get3A_1085 = arith.index_cast %get3A_1084 : i32 to index
      %get3A_1086 = arith.constant 0 : index
      %get3A_1087 = tpu.vector_load %arg12[%get3A_1085, %get3A_1086] {strides = array<i32>} : memref<80x16xf32, #tpu.memory_space<vmem>>, vector<1x16xf32>,
      %get3A_1088 = vector.shape_cast %get3A_1087 : vector<1x16xf32> to vector<16xf32>
      %slice3A_1089 = vector.extract_strided_slice %mul3A_1038 {offsets = [3], sizes = [1], strides = [1]} : vector<16xf32> to vector<1xf32>
      %squeeze3A_1090 = vector.extract %slice3A_1089[0] : f32 from vector<1xf32>
      %mul3A_1091 = vector.broadcast %squeeze3A_1090 : f32 to vector<16xf32>
      %mul3A_1092 = arith.mulf %get3A_1088, %mul3A_1091 : vector<16xf32>
      %swap3A_1093 = arith.constant 67 : i32
      %swap3A_1094 = arith.index_cast %swap3A_1093 : i32 to index
      %swap3A_1095 = arith.constant 0 : index
      %swap3A_1096 = tpu.vector_load %arg12[%swap3A_1094, %swap3A_1095] {strides = array<i32>} : memref<80x16xf32, #tpu.memory_space<vmem>>, vector<1x16xf32>,
      %swap3A_1097 = vector.shape_cast %swap3A_1096 : vector<1x16xf32> to vector<16xf32>
      %swap3A_1098 = vector.shape_cast %mul3A_1092 : vector<16xf32> to vector<1x16xf32>
      tpu.vector_store %arg12[%swap3A_1094, %swap3A_1095], %swap3A_1098 {strides = array<i32>} : memref<80x16xf32, #tpu.memory_space<vmem>>, vector<1x16xf32>,
      %get3A_1099 = arith.constant 68 : i32
      %get3A_1100 = arith.index_cast %get3A_1099 : i32 to index
      %get3A_1101 = arith.constant 0 : index
      %get3A_1102 = tpu.vector_load %arg12[%get3A_1100, %get3A_1101] {strides = array<i32>} : memref<80x16xf32, #tpu.memory_space<vmem>>, vector<1x16xf32>,
      %get3A_1103 = vector.shape_cast %get3A_1102 : vector<1x16xf32> to vector<16xf32>
      %slice3A_1104 = vector.extract_strided_slice %mul3A_1038 {offsets = [4], sizes = [1], strides = [1]} : vector<16xf32> to vector<1xf32>
      %squeeze3A_1105 = vector.extract %slice3A_1104[0] : f32 from vector<1xf32>
      %mul3A_1106 = vector.broadcast %squeeze3A_1105 : f32 to vector<16xf32>
      %mul3A_1107 = arith.mulf %get3A_1103, %mul3A_1106 : vector<16xf32>
      %swap3A_1108 = arith.constant 68 : i32
      %swap3A_1109 = arith.index_cast %swap3A_1108 : i32 to index
      %swap3A_1110 = arith.constant 0 : index
      %swap3A_1111 = tpu.vector_load %arg12[%swap3A_1109, %swap3A_1110] {strides = array<i32>} : memref<80x16xf32, #tpu.memory_space<vmem>>, vector<1x16xf32>,
      %swap3A_1112 = vector.shape_cast %swap3A_1111 : vector<1x16xf32> to vector<16xf32>
      %swap3A_1113 = vector.shape_cast %mul3A_1107 : vector<16xf32> to vector<1x16xf32>
      tpu.vector_store %arg12[%swap3A_1109, %swap3A_1110], %swap3A_1113 {strides = array<i32>} : memref<80x16xf32, #tpu.memory_space<vmem>>, vector<1x16xf32>,
      %get3A_1114 = arith.constant 69 : i32
      %get3A_1115 = arith.index_cast %get3A_1114 : i32 to index
      %get3A_1116 = arith.constant 0 : index
      %get3A_1117 = tpu.vector_load %arg12[%get3A_1115, %get3A_1116] {strides = array<i32>} : memref<80x16xf32, #tpu.memory_space<vmem>>, vector<1x16xf32>,
      %get3A_1118 = vector.shape_cast %get3A_1117 : vector<1x16xf32> to vector<16xf32>
      %slice3A_1119 = vector.extract_strided_slice %mul3A_1038 {offsets = [5], sizes = [1], strides = [1]} : vector<16xf32> to vector<1xf32>
      %squeeze3A_1120 = vector.extract %slice3A_1119[0] : f32 from vector<1xf32>
      %mul3A_1121 = vector.broadcast %squeeze3A_1120 : f32 to vector<16xf32>
      %mul3A_1122 = arith.mulf %get3A_1118, %mul3A_1121 : vector<16xf32>
      %swap3A_1123 = arith.constant 69 : i32
      %swap3A_1124 = arith.index_cast %swap3A_1123 : i32 to index
      %swap3A_1125 = arith.constant 0 : index
      %swap3A_1126 = tpu.vector_load %arg12[%swap3A_1124, %swap3A_1125] {strides = array<i32>} : memref<80x16xf32, #tpu.memory_space<vmem>>, vector<1x16xf32>,
      %swap3A_1127 = vector.shape_cast %swap3A_1126 : vector<1x16xf32> to vector<16xf32>
      %swap3A_1128 = vector.shape_cast %mul3A_1122 : vector<16xf32> to vector<1x16xf32>
      tpu.vector_store %arg12[%swap3A_1124, %swap3A_1125], %swap3A_1128 {strides = array<i32>} : memref<80x16xf32, #tpu.memory_space<vmem>>, vector<1x16xf32>,
      %get3A_1129 = arith.constant 70 : i32
      %get3A_1130 = arith.index_cast %get3A_1129 : i32 to index
      %get3A_1131 = arith.constant 0 : index
      %get3A_1132 = tpu.vector_load %arg12[%get3A_1130, %get3A_1131] {strides = array<i32>} : memref<80x16xf32, #tpu.memory_space<vmem>>, vector<1x16xf32>,
      %get3A_1133 = vector.shape_cast %get3A_1132 : vector<1x16xf32> to vector<16xf32>
      %slice3A_1134 = vector.extract_strided_slice %mul3A_1038 {offsets = [6], sizes = [1], strides = [1]} : vector<16xf32> to vector<1xf32>
      %squeeze3A_1135 = vector.extract %slice3A_1134[0] : f32 from vector<1xf32>
      %mul3A_1136 = vector.broadcast %squeeze3A_1135 : f32 to vector<16xf32>
      %mul3A_1137 = arith.mulf %get3A_1133, %mul3A_1136 : vector<16xf32>
      %swap3A_1138 = arith.constant 70 : i32
      %swap3A_1139 = arith.index_cast %swap3A_1138 : i32 to index
      %swap3A_1140 = arith.constant 0 : index
      %swap3A_1141 = tpu.vector_load %arg12[%swap3A_1139, %swap3A_1140] {strides = array<i32>} : memref<80x16xf32, #tpu.memory_space<vmem>>, vector<1x16xf32>,
      %swap3A_1142 = vector.shape_cast %swap3A_1141 : vector<1x16xf32> to vector<16xf32>
      %swap3A_1143 = vector.shape_cast %mul3A_1137 : vector<16xf32> to vector<1x16xf32>
      tpu.vector_store %arg12[%swap3A_1139, %swap3A_1140], %swap3A_1143 {strides = array<i32>} : memref<80x16xf32, #tpu.memory_space<vmem>>, vector<1x16xf32>,
      %get3A_1144 = arith.constant 71 : i32
      %get3A_1145 = arith.index_cast %get3A_1144 : i32 to index
      %get3A_1146 = arith.constant 0 : index
      %get3A_1147 = tpu.vector_load %arg12[%get3A_1145, %get3A_1146] {strides = array<i32>} : memref<80x16xf32, #tpu.memory_space<vmem>>, vector<1x16xf32>,
      %get3A_1148 = vector.shape_cast %get3A_1147 : vector<1x16xf32> to vector<16xf32>
      %slice3A_1149 = vector.extract_strided_slice %mul3A_1038 {offsets = [7], sizes = [1], strides = [1]} : vector<16xf32> to vector<1xf32>
      %squeeze3A_1150 = vector.extract %slice3A_1149[0] : f32 from vector<1xf32>
      %mul3A_1151 = vector.broadcast %squeeze3A_1150 : f32 to vector<16xf32>
      %mul3A_1152 = arith.mulf %get3A_1148, %mul3A_1151 : vector<16xf32>
      %swap3A_1153 = arith.constant 71 : i32
      %swap3A_1154 = arith.index_cast %swap3A_1153 : i32 to index
      %swap3A_1155 = arith.constant 0 : index
      %swap3A_1156 = tpu.vector_load %arg12[%swap3A_1154, %swap3A_1155] {strides = array<i32>} : memref<80x16xf32, #tpu.memory_space<vmem>>, vector<1x16xf32>,
      %swap3A_1157 = vector.shape_cast %swap3A_1156 : vector<1x16xf32> to vector<16xf32>
      %swap3A_1158 = vector.shape_cast %mul3A_1152 : vector<16xf32> to vector<1x16xf32>
      tpu.vector_store %arg12[%swap3A_1154, %swap3A_1155], %swap3A_1158 {strides = array<i32>} : memref<80x16xf32, #tpu.memory_space<vmem>>, vector<1x16xf32>,
      %get3A_1159 = arith.constant 72 : i32
      %get3A_1160 = arith.index_cast %get3A_1159 : i32 to index
      %get3A_1161 = arith.constant 0 : index
      %get3A_1162 = tpu.vector_load %arg12[%get3A_1160, %get3A_1161] {strides = array<i32>} : memref<80x16xf32, #tpu.memory_space<vmem>>, vector<1x16xf32>,
      %get3A_1163 = vector.shape_cast %get3A_1162 : vector<1x16xf32> to vector<16xf32>
      %slice3A_1164 = vector.extract_strided_slice %mul3A_1038 {offsets = [8], sizes = [1], strides = [1]} : vector<16xf32> to vector<1xf32>
      %squeeze3A_1165 = vector.extract %slice3A_1164[0] : f32 from vector<1xf32>
      %mul3A_1166 = vector.broadcast %squeeze3A_1165 : f32 to vector<16xf32>
      %mul3A_1167 = arith.mulf %get3A_1163, %mul3A_1166 : vector<16xf32>
      %swap3A_1168 = arith.constant 72 : i32
      %swap3A_1169 = arith.index_cast %swap3A_1168 : i32 to index
      %swap3A_1170 = arith.constant 0 : index
      %swap3A_1171 = tpu.vector_load %arg12[%swap3A_1169, %swap3A_1170] {strides = array<i32>} : memref<80x16xf32, #tpu.memory_space<vmem>>, vector<1x16xf32>,
      %swap3A_1172 = vector.shape_cast %swap3A_1171 : vector<1x16xf32> to vector<16xf32>
      %swap3A_1173 = vector.shape_cast %mul3A_1167 : vector<16xf32> to vector<1x16xf32>
      tpu.vector_store %arg12[%swap3A_1169, %swap3A_1170], %swap3A_1173 {strides = array<i32>} : memref<80x16xf32, #tpu.memory_space<vmem>>, vector<1x16xf32>,
      %get3A_1174 = arith.constant 73 : i32
      %get3A_1175 = arith.index_cast %get3A_1174 : i32 to index
      %get3A_1176 = arith.constant 0 : index
      %get3A_1177 = tpu.vector_load %arg12[%get3A_1175, %get3A_1176] {strides = array<i32>} : memref<80x16xf32, #tpu.memory_space<vmem>>, vector<1x16xf32>,
      %get3A_1178 = vector.shape_cast %get3A_1177 : vector<1x16xf32> to vector<16xf32>
      %slice3A_1179 = vector.extract_strided_slice %mul3A_1038 {offsets = [9], sizes = [1], strides = [1]} : vector<16xf32> to vector<1xf32>
      %squeeze3A_1180 = vector.extract %slice3A_1179[0] : f32 from vector<1xf32>
      %mul3A_1181 = vector.broadcast %squeeze3A_1180 : f32 to vector<16xf32>
      %mul3A_1182 = arith.mulf %get3A_1178, %mul3A_1181 : vector<16xf32>
      %swap3A_1183 = arith.constant 73 : i32
      %swap3A_1184 = arith.index_cast %swap3A_1183 : i32 to index
      %swap3A_1185 = arith.constant 0 : index
      %swap3A_1186 = tpu.vector_load %arg12[%swap3A_1184, %swap3A_1185] {strides = array<i32>} : memref<80x16xf32, #tpu.memory_space<vmem>>, vector<1x16xf32>,
      %swap3A_1187 = vector.shape_cast %swap3A_1186 : vector<1x16xf32> to vector<16xf32>
      %swap3A_1188 = vector.shape_cast %mul3A_1182 : vector<16xf32> to vector<1x16xf32>
      tpu.vector_store %arg12[%swap3A_1184, %swap3A_1185], %swap3A_1188 {strides = array<i32>} : memref<80x16xf32, #tpu.memory_space<vmem>>, vector<1x16xf32>,
      %get3A_1189 = arith.constant 74 : i32
      %get3A_1190 = arith.index_cast %get3A_1189 : i32 to index
      %get3A_1191 = arith.constant 0 : index
      %get3A_1192 = tpu.vector_load %arg12[%get3A_1190, %get3A_1191] {strides = array<i32>} : memref<80x16xf32, #tpu.memory_space<vmem>>, vector<1x16xf32>,
      %get3A_1193 = vector.shape_cast %get3A_1192 : vector<1x16xf32> to vector<16xf32>
      %slice3A_1194 = vector.extract_strided_slice %mul3A_1038 {offsets = [10], sizes = [1], strides = [1]} : vector<16xf32> to vector<1xf32>
      %squeeze3A_1195 = vector.extract %slice3A_1194[0] : f32 from vector<1xf32>
      %mul3A_1196 = vector.broadcast %squeeze3A_1195 : f32 to vector<16xf32>
      %mul3A_1197 = arith.mulf %get3A_1193, %mul3A_1196 : vector<16xf32>
      %swap3A_1198 = arith.constant 74 : i32
      %swap3A_1199 = arith.index_cast %swap3A_1198 : i32 to index
      %swap3A_1200 = arith.constant 0 : index
      %swap3A_1201 = tpu.vector_load %arg12[%swap3A_1199, %swap3A_1200] {strides = array<i32>} : memref<80x16xf32, #tpu.memory_space<vmem>>, vector<1x16xf32>,
      %swap3A_1202 = vector.shape_cast %swap3A_1201 : vector<1x16xf32> to vector<16xf32>
      %swap3A_1203 = vector.shape_cast %mul3A_1197 : vector<16xf32> to vector<1x16xf32>
      tpu.vector_store %arg12[%swap3A_1199, %swap3A_1200], %swap3A_1203 {strides = array<i32>} : memref<80x16xf32, #tpu.memory_space<vmem>>, vector<1x16xf32>,
      %get3A_1204 = arith.constant 75 : i32
      %get3A_1205 = arith.index_cast %get3A_1204 : i32 to index
      %get3A_1206 = arith.constant 0 : index
      %get3A_1207 = tpu.vector_load %arg12[%get3A_1205, %get3A_1206] {strides = array<i32>} : memref<80x16xf32, #tpu.memory_space<vmem>>, vector<1x16xf32>,
      %get3A_1208 = vector.shape_cast %get3A_1207 : vector<1x16xf32> to vector<16xf32>
      %slice3A_1209 = vector.extract_strided_slice %mul3A_1038 {offsets = [11], sizes = [1], strides = [1]} : vector<16xf32> to vector<1xf32>
      %squeeze3A_1210 = vector.extract %slice3A_1209[0] : f32 from vector<1xf32>
      %mul3A_1211 = vector.broadcast %squeeze3A_1210 : f32 to vector<16xf32>
      %mul3A_1212 = arith.mulf %get3A_1208, %mul3A_1211 : vector<16xf32>
      %swap3A_1213 = arith.constant 75 : i32
      %swap3A_1214 = arith.index_cast %swap3A_1213 : i32 to index
      %swap3A_1215 = arith.constant 0 : index
      %swap3A_1216 = tpu.vector_load %arg12[%swap3A_1214, %swap3A_1215] {strides = array<i32>} : memref<80x16xf32, #tpu.memory_space<vmem>>, vector<1x16xf32>,
      %swap3A_1217 = vector.shape_cast %swap3A_1216 : vector<1x16xf32> to vector<16xf32>
      %swap3A_1218 = vector.shape_cast %mul3A_1212 : vector<16xf32> to vector<1x16xf32>
      tpu.vector_store %arg12[%swap3A_1214, %swap3A_1215], %swap3A_1218 {strides = array<i32>} : memref<80x16xf32, #tpu.memory_space<vmem>>, vector<1x16xf32>,
      %get3A_1219 = arith.constant 76 : i32
      %get3A_1220 = arith.index_cast %get3A_1219 : i32 to index
      %get3A_1221 = arith.constant 0 : index
      %get3A_1222 = tpu.vector_load %arg12[%get3A_1220, %get3A_1221] {strides = array<i32>} : memref<80x16xf32, #tpu.memory_space<vmem>>, vector<1x16xf32>,
      %get3A_1223 = vector.shape_cast %get3A_1222 : vector<1x16xf32> to vector<16xf32>
      %slice3A_1224 = vector.extract_strided_slice %mul3A_1038 {offsets = [12], sizes = [1], strides = [1]} : vector<16xf32> to vector<1xf32>
      %squeeze3A_1225 = vector.extract %slice3A_1224[0] : f32 from vector<1xf32>
      %mul3A_1226 = vector.broadcast %squeeze3A_1225 : f32 to vector<16xf32>
      %mul3A_1227 = arith.mulf %get3A_1223, %mul3A_1226 : vector<16xf32>
      %swap3A_1228 = arith.constant 76 : i32
      %swap3A_1229 = arith.index_cast %swap3A_1228 : i32 to index
      %swap3A_1230 = arith.constant 0 : index
      %swap3A_1231 = tpu.vector_load %arg12[%swap3A_1229, %swap3A_1230] {strides = array<i32>} : memref<80x16xf32, #tpu.memory_space<vmem>>, vector<1x16xf32>,
      %swap3A_1232 = vector.shape_cast %swap3A_1231 : vector<1x16xf32> to vector<16xf32>
      %swap3A_1233 = vector.shape_cast %mul3A_1227 : vector<16xf32> to vector<1x16xf32>
      tpu.vector_store %arg12[%swap3A_1229, %swap3A_1230], %swap3A_1233 {strides = array<i32>} : memref<80x16xf32, #tpu.memory_space<vmem>>, vector<1x16xf32>,
      %get3A_1234 = arith.constant 77 : i32
      %get3A_1235 = arith.index_cast %get3A_1234 : i32 to index
      %get3A_1236 = arith.constant 0 : index
      %get3A_1237 = tpu.vector_load %arg12[%get3A_1235, %get3A_1236] {strides = array<i32>} : memref<80x16xf32, #tpu.memory_space<vmem>>, vector<1x16xf32>,
      %get3A_1238 = vector.shape_cast %get3A_1237 : vector<1x16xf32> to vector<16xf32>
      %slice3A_1239 = vector.extract_strided_slice %mul3A_1038 {offsets = [13], sizes = [1], strides = [1]} : vector<16xf32> to vector<1xf32>
      %squeeze3A_1240 = vector.extract %slice3A_1239[0] : f32 from vector<1xf32>
      %mul3A_1241 = vector.broadcast %squeeze3A_1240 : f32 to vector<16xf32>
      %mul3A_1242 = arith.mulf %get3A_1238, %mul3A_1241 : vector<16xf32>
      %swap3A_1243 = arith.constant 77 : i32
      %swap3A_1244 = arith.index_cast %swap3A_1243 : i32 to index
      %swap3A_1245 = arith.constant 0 : index
      %swap3A_1246 = tpu.vector_load %arg12[%swap3A_1244, %swap3A_1245] {strides = array<i32>} : memref<80x16xf32, #tpu.memory_space<vmem>>, vector<1x16xf32>,
      %swap3A_1247 = vector.shape_cast %swap3A_1246 : vector<1x16xf32> to vector<16xf32>
      %swap3A_1248 = vector.shape_cast %mul3A_1242 : vector<16xf32> to vector<1x16xf32>
      tpu.vector_store %arg12[%swap3A_1244, %swap3A_1245], %swap3A_1248 {strides = array<i32>} : memref<80x16xf32, #tpu.memory_space<vmem>>, vector<1x16xf32>,
      %get3A_1249 = arith.constant 78 : i32
      %get3A_1250 = arith.index_cast %get3A_1249 : i32 to index
      %get3A_1251 = arith.constant 0 : index
      %get3A_1252 = tpu.vector_load %arg12[%get3A_1250, %get3A_1251] {strides = array<i32>} : memref<80x16xf32, #tpu.memory_space<vmem>>, vector<1x16xf32>,
      %get3A_1253 = vector.shape_cast %get3A_1252 : vector<1x16xf32> to vector<16xf32>
      %slice3A_1254 = vector.extract_strided_slice %mul3A_1038 {offsets = [14], sizes = [1], strides = [1]} : vector<16xf32> to vector<1xf32>
      %squeeze3A_1255 = vector.extract %slice3A_1254[0] : f32 from vector<1xf32>
      %mul3A_1256 = vector.broadcast %squeeze3A_1255 : f32 to vector<16xf32>
      %mul3A_1257 = arith.mulf %get3A_1253, %mul3A_1256 : vector<16xf32>
      %swap3A_1258 = arith.constant 78 : i32
      %swap3A_1259 = arith.index_cast %swap3A_1258 : i32 to index
      %swap3A_1260 = arith.constant 0 : index
      %swap3A_1261 = tpu.vector_load %arg12[%swap3A_1259, %swap3A_1260] {strides = array<i32>} : memref<80x16xf32, #tpu.memory_space<vmem>>, vector<1x16xf32>,
      %swap3A_1262 = vector.shape_cast %swap3A_1261 : vector<1x16xf32> to vector<16xf32>
      %swap3A_1263 = vector.shape_cast %mul3A_1257 : vector<16xf32> to vector<1x16xf32>
      tpu.vector_store %arg12[%swap3A_1259, %swap3A_1260], %swap3A_1263 {strides = array<i32>} : memref<80x16xf32, #tpu.memory_space<vmem>>, vector<1x16xf32>,
      %get3A_1264 = arith.constant 79 : i32
      %get3A_1265 = arith.index_cast %get3A_1264 : i32 to index
      %get3A_1266 = arith.constant 0 : index
      %get3A_1267 = tpu.vector_load %arg12[%get3A_1265, %get3A_1266] {strides = array<i32>} : memref<80x16xf32, #tpu.memory_space<vmem>>, vector<1x16xf32>,
      %get3A_1268 = vector.shape_cast %get3A_1267 : vector<1x16xf32> to vector<16xf32>
      %slice3A_1269 = vector.extract_strided_slice %mul3A_1038 {offsets = [15], sizes = [1], strides = [1]} : vector<16xf32> to vector<1xf32>
      %squeeze3A_1270 = vector.extract %slice3A_1269[0] : f32 from vector<1xf32>
      %mul3A_1271 = vector.broadcast %squeeze3A_1270 : f32 to vector<16xf32>
      %mul3A_1272 = arith.mulf %get3A_1268, %mul3A_1271 : vector<16xf32>
      %swap3A_1273 = arith.constant 79 : i32
      %swap3A_1274 = arith.index_cast %swap3A_1273 : i32 to index
      %swap3A_1275 = arith.constant 0 : index
      %swap3A_1276 = tpu.vector_load %arg12[%swap3A_1274, %swap3A_1275] {strides = array<i32>} : memref<80x16xf32, #tpu.memory_space<vmem>>, vector<1x16xf32>,
      %swap3A_1277 = vector.shape_cast %swap3A_1276 : vector<1x16xf32> to vector<16xf32>
      %swap3A_1278 = vector.shape_cast %mul3A_1272 : vector<16xf32> to vector<1x16xf32>
      tpu.vector_store %arg12[%swap3A_1274, %swap3A_1275], %swap3A_1278 {strides = array<i32>} : memref<80x16xf32, #tpu.memory_space<vmem>>, vector<1x16xf32>,
      "tpu.region"() ({
        %run_scoped3A = tpu.sem_alloc : memref<!tpu.dma_semaphore, #tpu.memory_space<semaphore_mem>>
        %dma_start3A = arith.constant 0 : i32
        %dma_start3A_1280 = arith.constant 0 : i32
        %dma_start3A_1281 = tpu.memref_slice %arg8[%dma_start3A, %dma_start3A_1280] : memref<10240x16xf32, #tpu.memory_space<vmem_shared>> -> memref<10240x16xf32, #tpu.memory_space<vmem_shared>>
        tpu.enqueue_indirect_dma source(%arg12 : memref<80x16xf32, #tpu.memory_space<vmem>>) target(%dma_start3A_1281 : memref<10240x16xf32, #tpu.memory_space<vmem_shared>>) offsets(%arg10 : memref<80xi32, #tpu.memory_space<vmem>>) semaphore(%run_scoped3A : memref<!tpu.dma_semaphore, #tpu.memory_space<semaphore_mem>>) {add = true}
        %dma_wait3A = arith.constant 0 : i32
        %dma_wait3A_1282 = arith.constant 0 : i32
        %dma_wait3A_1283 = tpu.memref_slice %arg8[%dma_wait3A, %dma_wait3A_1282] : memref<10240x16xf32, #tpu.memory_space<vmem_shared>> -> memref<10240x16xf32, #tpu.memory_space<vmem_shared>>
        tpu.wait_indirect_dma semaphore(%run_scoped3A : memref<!tpu.dma_semaphore, #tpu.memory_space<semaphore_mem>>) src(%arg12 : memref<80x16xf32, #tpu.memory_space<vmem>>) dst(%dma_wait3A_1283 : memref<10240x16xf32, #tpu.memory_space<vmem_shared>>)
        tpu.yield
      }) : () -> ()
      %scan3A_1279 = arith.constant 0 : i32
      scf.yield %scan3A_1279 : i32
    }
    %scan3A_15 = arith.constant 129 : i32
    %barrier3A_16 = arith.constant 0 : index
    tpu.barrier barrier_id(%barrier3A_16)
    %mul3A_17 = arith.constant 640 : i32
    %mul3A_18 = arith.muli %arg1, %mul3A_17 : i32
    %mul3A_19 = arith.constant 640 : i32
    %mul3A_20 = arith.muli %arg1, %mul3A_19 : i32
    "tpu.region"() ({
      %run_scoped3A = tpu.sem_alloc : memref<!tpu.dma_semaphore, #tpu.memory_space<semaphore_mem>>
      %dma_start3A = arith.constant 0 : i32
      %dma_start3A_21 = tpu.memref_slice %arg7[%arg0, %mul3A_20, %dma_start3A] : memref<2x10240x16xf32, #tpu.memory_space<hbm>> -> memref<1x640x16xf32, #tpu.memory_space<hbm>>
      %dma_start3A_22 = tpu.memref_squeeze %dma_start3A_21 : memref<1x640x16xf32, #tpu.memory_space<hbm>> -> memref<640x16xf32, #tpu.memory_space<hbm>>
      %dma_start3A_23 = arith.constant 0 : i32
      %dma_start3A_24 = tpu.memref_slice %arg8[%mul3A_18, %dma_start3A_23] : memref<10240x16xf32, #tpu.memory_space<vmem_shared>> -> memref<640x16xf32, #tpu.memory_space<vmem_shared>>
      tpu.enqueue_dma source(%dma_start3A_24 : memref<640x16xf32, #tpu.memory_space<vmem_shared>>) target(%dma_start3A_22 : memref<640x16xf32, #tpu.memory_space<hbm>>) target_semaphore(%run_scoped3A : memref<!tpu.dma_semaphore, #tpu.memory_space<semaphore_mem>>)
      %dma_wait3A = arith.constant 0 : i32
      %dma_wait3A_25 = tpu.memref_slice %arg7[%arg0, %mul3A_20, %dma_wait3A] : memref<2x10240x16xf32, #tpu.memory_space<hbm>> -> memref<1x640x16xf32, #tpu.memory_space<hbm>>
      %dma_wait3A_26 = tpu.memref_squeeze %dma_wait3A_25 : memref<1x640x16xf32, #tpu.memory_space<hbm>> -> memref<640x16xf32, #tpu.memory_space<hbm>>
      %dma_wait3A_27 = arith.constant 0 : i32
      %dma_wait3A_28 = tpu.memref_slice %arg8[%mul3A_18, %dma_wait3A_27] : memref<10240x16xf32, #tpu.memory_space<vmem_shared>> -> memref<640x16xf32, #tpu.memory_space<vmem_shared>>
      tpu.wait_dma2 semaphore(%run_scoped3A : memref<!tpu.dma_semaphore, #tpu.memory_space<semaphore_mem>>) src(%dma_wait3A_28 : memref<640x16xf32, #tpu.memory_space<vmem_shared>>) dst(%dma_wait3A_26 : memref<640x16xf32, #tpu.memory_space<hbm>>)
      tpu.yield
    }) : () -> ()
    return
  }
}

#map = affine_map<(d0, d1) -> (0)>
#map1 = affine_map<(d0, d1) -> (0, 0)>
module attributes {stable_mosaic.version = 14 : i64} {
  func.func @k(%arg0: i32, %arg1: i32, %arg2: memref<330240xi32, #tpu.memory_space<hbm>>, %arg3: memref<330240xf32, #tpu.memory_space<hbm>>, %arg4: memref<2x10240xf32, #tpu.memory_space<hbm>>, %arg5: memref<10240xf32, #tpu.memory_space<vmem_shared>>, %arg6: memref<80xi32, #tpu.memory_space<vmem>>, %arg7: memref<80xf32, #tpu.memory_space<vmem>>, %arg8: memref<640xf32, #tpu.memory_space<vmem>>) attributes {dimension_semantics = [#tpu.dimension_semantics<core_parallel>, #tpu.dimension_semantics<subcore_parallel>], iteration_bounds = array<i64: 2, 16>, scalar_prefetch = 0 : i64, scratch_operands = 4 : i64, tpu.core_type = #tpu.core_type<sc_vector_subcore>, window_params = [{transform_indices = #map}, {transform_indices = #map}, {transform_indices = #map1}]} {
    %mul3A = arith.constant 16 : i32
    %mul3A_0 = arith.muli %arg0, %mul3A : i32
    %add3A = arith.addi %mul3A_0, %arg1 : i32
    %scan3A = arith.constant 0 : i32
    %scan3A_1 = arith.constant 0 : i32
    %scan3A_2 = arith.constant 40 : i32
    %scan3A_3 = arith.addi %scan3A_1, %scan3A_2 : i32
    %scan3A_4 = arith.constant 1 : i32
    %scan3A_5 = scf.for %scan3A_21 = %scan3A_1 to %scan3A_3 step %scan3A_4 iter_args(%scan3A_22 = %scan3A) -> (i32)  : i32 {
      %broadcast_in_dim3A = arith.constant 0.000000e+00 : f32
      %broadcast_in_dim3A_23 = vector.broadcast %broadcast_in_dim3A : f32 to vector<16xf32>
      %mul3A_24 = arith.constant 16 : i32
      %mul3A_25 = arith.muli %scan3A_21, %mul3A_24 : i32
      %swap3A = arith.index_cast %mul3A_25 : i32 to index
      %swap3A_26 = tpu.vector_load %arg8[%swap3A] {strides = array<i32>} : memref<640xf32, #tpu.memory_space<vmem>>, vector<16xf32>,
      %swap3A_27 = vector.shape_cast %swap3A_26 : vector<16xf32> to vector<16xf32>
      %swap3A_28 = vector.shape_cast %broadcast_in_dim3A_23 : vector<16xf32> to vector<16xf32>
      tpu.vector_store %arg8[%swap3A], %swap3A_28 {strides = array<i32>} : memref<640xf32, #tpu.memory_space<vmem>>, vector<16xf32>,
      %scan3A_29 = arith.constant 0 : i32
      scf.yield %scan3A_29 : i32
    }
    %scan3A_6 = arith.constant 40 : i32
    %mul3A_7 = arith.constant 640 : i32
    %mul3A_8 = arith.muli %arg1, %mul3A_7 : i32
    "tpu.region"() ({
      %run_scoped3A = tpu.sem_alloc : memref<!tpu.dma_semaphore, #tpu.memory_space<semaphore_mem>>
      %dma_start3A = tpu.memref_slice %arg5[%mul3A_8] : memref<10240xf32, #tpu.memory_space<vmem_shared>> -> memref<640xf32, #tpu.memory_space<vmem_shared>>
      %dma_start3A_21 = tpu.memref_slice %arg5[%mul3A_8] : memref<10240xf32, #tpu.memory_space<vmem_shared>> -> memref<640xf32, #tpu.memory_space<vmem_shared>>
      tpu.enqueue_dma source(%arg8 : memref<640xf32, #tpu.memory_space<vmem>>) target(%dma_start3A_21 : memref<640xf32, #tpu.memory_space<vmem_shared>>) target_semaphore(%run_scoped3A : memref<!tpu.dma_semaphore, #tpu.memory_space<semaphore_mem>>)
      %dma_wait3A = tpu.memref_slice %arg5[%mul3A_8] : memref<10240xf32, #tpu.memory_space<vmem_shared>> -> memref<640xf32, #tpu.memory_space<vmem_shared>>
      %dma_wait3A_22 = tpu.memref_slice %arg5[%mul3A_8] : memref<10240xf32, #tpu.memory_space<vmem_shared>> -> memref<640xf32, #tpu.memory_space<vmem_shared>>
      tpu.wait_dma2 semaphore(%run_scoped3A : memref<!tpu.dma_semaphore, #tpu.memory_space<semaphore_mem>>) src(%arg8 : memref<640xf32, #tpu.memory_space<vmem>>) dst(%dma_wait3A_22 : memref<640xf32, #tpu.memory_space<vmem_shared>>)
      tpu.yield
    }) : () -> ()
    %barrier3A = arith.constant 0 : index
    tpu.barrier barrier_id(%barrier3A)
    %scan3A_9 = arith.constant 0 : i32
    %scan3A_10 = arith.constant 0 : i32
    %scan3A_11 = arith.constant 129 : i32
    %scan3A_12 = arith.addi %scan3A_10, %scan3A_11 : i32
    %scan3A_13 = arith.constant 1 : i32
    %scan3A_14 = scf.for %scan3A_21 = %scan3A_10 to %scan3A_12 step %scan3A_13 iter_args(%scan3A_22 = %scan3A_9) -> (i32)  : i32 {
      %mul3A_23 = arith.constant 10320 : i32
      %mul3A_24 = arith.muli %add3A, %mul3A_23 : i32
      %mul3A_25 = arith.constant 80 : i32
      %mul3A_26 = arith.muli %scan3A_21, %mul3A_25 : i32
      %add3A_27 = arith.addi %mul3A_24, %mul3A_26 : i32
      "tpu.region"() ({
        %run_scoped3A = tpu.sem_alloc : memref<!tpu.dma_semaphore, #tpu.memory_space<semaphore_mem>>
        %dma_start3A = tpu.memref_slice %arg2[%add3A_27] : memref<330240xi32, #tpu.memory_space<hbm>> -> memref<80xi32, #tpu.memory_space<hbm>>
        %dma_start3A_29 = tpu.memref_slice %arg2[%add3A_27] : memref<330240xi32, #tpu.memory_space<hbm>> -> memref<80xi32, #tpu.memory_space<hbm>>
        tpu.enqueue_dma source(%dma_start3A_29 : memref<80xi32, #tpu.memory_space<hbm>>) target(%arg6 : memref<80xi32, #tpu.memory_space<vmem>>) target_semaphore(%run_scoped3A : memref<!tpu.dma_semaphore, #tpu.memory_space<semaphore_mem>>)
        %dma_wait3A = tpu.memref_slice %arg2[%add3A_27] : memref<330240xi32, #tpu.memory_space<hbm>> -> memref<80xi32, #tpu.memory_space<hbm>>
        %dma_wait3A_30 = tpu.memref_slice %arg2[%add3A_27] : memref<330240xi32, #tpu.memory_space<hbm>> -> memref<80xi32, #tpu.memory_space<hbm>>
        tpu.wait_dma2 semaphore(%run_scoped3A : memref<!tpu.dma_semaphore, #tpu.memory_space<semaphore_mem>>) src(%dma_wait3A_30 : memref<80xi32, #tpu.memory_space<hbm>>) dst(%arg6 : memref<80xi32, #tpu.memory_space<vmem>>)
        tpu.yield
      }) : () -> ()
      "tpu.region"() ({
        %run_scoped3A = tpu.sem_alloc : memref<!tpu.dma_semaphore, #tpu.memory_space<semaphore_mem>>
        %dma_start3A = tpu.memref_slice %arg3[%add3A_27] : memref<330240xf32, #tpu.memory_space<hbm>> -> memref<80xf32, #tpu.memory_space<hbm>>
        %dma_start3A_29 = tpu.memref_slice %arg3[%add3A_27] : memref<330240xf32, #tpu.memory_space<hbm>> -> memref<80xf32, #tpu.memory_space<hbm>>
        tpu.enqueue_dma source(%dma_start3A_29 : memref<80xf32, #tpu.memory_space<hbm>>) target(%arg7 : memref<80xf32, #tpu.memory_space<vmem>>) target_semaphore(%run_scoped3A : memref<!tpu.dma_semaphore, #tpu.memory_space<semaphore_mem>>)
        %dma_wait3A = tpu.memref_slice %arg3[%add3A_27] : memref<330240xf32, #tpu.memory_space<hbm>> -> memref<80xf32, #tpu.memory_space<hbm>>
        %dma_wait3A_30 = tpu.memref_slice %arg3[%add3A_27] : memref<330240xf32, #tpu.memory_space<hbm>> -> memref<80xf32, #tpu.memory_space<hbm>>
        tpu.wait_dma2 semaphore(%run_scoped3A : memref<!tpu.dma_semaphore, #tpu.memory_space<semaphore_mem>>) src(%dma_wait3A_30 : memref<80xf32, #tpu.memory_space<hbm>>) dst(%arg7 : memref<80xf32, #tpu.memory_space<vmem>>)
        tpu.yield
      }) : () -> ()
      "tpu.region"() ({
        %run_scoped3A = tpu.sem_alloc : memref<!tpu.dma_semaphore, #tpu.memory_space<semaphore_mem>>
        %dma_start3A = arith.constant 0 : i32
        %dma_start3A_29 = tpu.memref_slice %arg5[%dma_start3A] : memref<10240xf32, #tpu.memory_space<vmem_shared>> -> memref<10240xf32, #tpu.memory_space<vmem_shared>>
        tpu.enqueue_indirect_dma source(%arg7 : memref<80xf32, #tpu.memory_space<vmem>>) target(%dma_start3A_29 : memref<10240xf32, #tpu.memory_space<vmem_shared>>) offsets(%arg6 : memref<80xi32, #tpu.memory_space<vmem>>) semaphore(%run_scoped3A : memref<!tpu.dma_semaphore, #tpu.memory_space<semaphore_mem>>) {add = true}
        %dma_wait3A = arith.constant 0 : i32
        %dma_wait3A_30 = tpu.memref_slice %arg5[%dma_wait3A] : memref<10240xf32, #tpu.memory_space<vmem_shared>> -> memref<10240xf32, #tpu.memory_space<vmem_shared>>
        tpu.wait_indirect_dma semaphore(%run_scoped3A : memref<!tpu.dma_semaphore, #tpu.memory_space<semaphore_mem>>) src(%arg7 : memref<80xf32, #tpu.memory_space<vmem>>) dst(%dma_wait3A_30 : memref<10240xf32, #tpu.memory_space<vmem_shared>>)
        tpu.yield
      }) : () -> ()
      %scan3A_28 = arith.constant 0 : i32
      scf.yield %scan3A_28 : i32
    }
    %scan3A_15 = arith.constant 129 : i32
    %barrier3A_16 = arith.constant 0 : index
    tpu.barrier barrier_id(%barrier3A_16)
    %mul3A_17 = arith.constant 640 : i32
    %mul3A_18 = arith.muli %arg1, %mul3A_17 : i32
    %mul3A_19 = arith.constant 640 : i32
    %mul3A_20 = arith.muli %arg1, %mul3A_19 : i32
    "tpu.region"() ({
      %run_scoped3A = tpu.sem_alloc : memref<!tpu.dma_semaphore, #tpu.memory_space<semaphore_mem>>
      %dma_start3A = tpu.memref_slice %arg4[%arg0, %mul3A_20] : memref<2x10240xf32, #tpu.memory_space<hbm>> -> memref<1x640xf32, #tpu.memory_space<hbm>>
      %dma_start3A_21 = tpu.memref_squeeze %dma_start3A : memref<1x640xf32, #tpu.memory_space<hbm>> -> memref<640xf32, #tpu.memory_space<hbm>>
      %dma_start3A_22 = tpu.memref_slice %arg5[%mul3A_18] : memref<10240xf32, #tpu.memory_space<vmem_shared>> -> memref<640xf32, #tpu.memory_space<vmem_shared>>
      tpu.enqueue_dma source(%dma_start3A_22 : memref<640xf32, #tpu.memory_space<vmem_shared>>) target(%dma_start3A_21 : memref<640xf32, #tpu.memory_space<hbm>>) target_semaphore(%run_scoped3A : memref<!tpu.dma_semaphore, #tpu.memory_space<semaphore_mem>>)
      %dma_wait3A = tpu.memref_slice %arg4[%arg0, %mul3A_20] : memref<2x10240xf32, #tpu.memory_space<hbm>> -> memref<1x640xf32, #tpu.memory_space<hbm>>
      %dma_wait3A_23 = tpu.memref_squeeze %dma_wait3A : memref<1x640xf32, #tpu.memory_space<hbm>> -> memref<640xf32, #tpu.memory_space<hbm>>
      %dma_wait3A_24 = tpu.memref_slice %arg5[%mul3A_18] : memref<10240xf32, #tpu.memory_space<vmem_shared>> -> memref<640xf32, #tpu.memory_space<vmem_shared>>
      tpu.wait_dma2 semaphore(%run_scoped3A : memref<!tpu.dma_semaphore, #tpu.memory_space<semaphore_mem>>) src(%dma_wait3A_24 : memref<640xf32, #tpu.memory_space<vmem_shared>>) dst(%dma_wait3A_23 : memref<640xf32, #tpu.memory_space<hbm>>)
      tpu.yield
    }) : () -> ()
    return
  }
}

module attributes {stable_mosaic.version = 14 : i64} {
  func.func @body(%arg0: memref<10000x128xf32, #tpu.memory_space<vmem>>, %arg1: memref<128x16xf32, #tpu.memory_space<vmem>>, %arg2: memref<80x128xf32, #tpu.memory_space<vmem>>, %arg3: memref<80x128xf32, #tpu.memory_space<vmem>>, %arg4: memref<10000x16xf32, #tpu.memory_space<vmem>>, %arg5: memref<80x128xf32, #tpu.memory_space<vmem>>) attributes {dimension_semantics = [], scalar_prefetch = 0 : i64, scratch_operands = 0 : i64, tpu.core_type = #tpu.core_type<tc>} {
    %get3A = arith.constant 0 : index
    %get3A_0 = arith.constant 0 : index
    %get3A_1 = vector.load %arg0[%get3A, %get3A_0] : memref<10000x128xf32, #tpu.memory_space<vmem>>, vector<10000x128xf32>
    %get3A_2 = arith.constant 0 : index
    %get3A_3 = arith.constant 0 : index
    %get3A_4 = vector.load %arg1[%get3A_2, %get3A_3] : memref<128x16xf32, #tpu.memory_space<vmem>>, vector<128x16xf32>
    %dot_general3A = arith.constant dense<0.000000e+00> : vector<10000x16xf32>
    %dot_general3A_5 = tpu.matmul %get3A_1, %get3A_4, %dot_general3A {dimension_numbers = #tpu.dot_dimension_numbers<[1], [0], [0], [1], [0, 0, 1, 1], [], []>, transpose_lhs_hint = false} : vector<10000x128xf32>, vector<128x16xf32>, vector<10000x16xf32> -> vector<10000x16xf32>
    %swap3A = arith.constant 0 : index
    %swap3A_6 = arith.constant 0 : index
    %swap3A_7 = vector.load %arg4[%swap3A, %swap3A_6] : memref<10000x16xf32, #tpu.memory_space<vmem>>, vector<10000x16xf32>
    tpu.vector_store %arg4[%swap3A, %swap3A_6], %dot_general3A_5 {strides = array<i32>} : memref<10000x16xf32, #tpu.memory_space<vmem>>, vector<10000x16xf32>,
    %get3A_8 = arith.constant 0 : index
    %get3A_9 = arith.constant 0 : index
    %get3A_10 = vector.load %arg2[%get3A_8, %get3A_9] : memref<80x128xf32, #tpu.memory_space<vmem>>, vector<80x128xf32>
    %get3A_11 = arith.constant 0 : index
    %get3A_12 = arith.constant 0 : index
    %get3A_13 = vector.load %arg3[%get3A_11, %get3A_12] : memref<80x128xf32, #tpu.memory_space<vmem>>, vector<80x128xf32>
    %add3A = arith.addf %get3A_10, %get3A_13 : vector<80x128xf32>
    %gt3A = arith.constant 0.000000e+00 : f32
    %gt3A_14 = vector.broadcast %gt3A : f32 to vector<80x128xf32>
    %gt3A_15 = arith.cmpf ogt, %add3A, %gt3A_14 : vector<80x128xf32>
    %gt3A_16 = arith.constant 0.000000e+00 : f32
    %gt3A_17 = vector.broadcast %gt3A_16 : f32 to vector<80x128xf32>
    %gt3A_18 = arith.cmpf ogt, %add3A, %gt3A_17 : vector<80x128xf32>
    %jit3A = arith.constant 1.000000e+00 : f32
    %broadcast_in_dim3A = vector.broadcast %jit3A : f32 to vector<80x128xf32>
    %select_n3A = arith.select %gt3A_18, %add3A, %broadcast_in_dim3A : vector<80x128xi1>, vector<80x128xf32>
    %rsqrt3A = math.rsqrt %select_n3A : vector<80x128xf32>
    %jit3A_19 = arith.constant 0.000000e+00 : f32
    %broadcast_in_dim3A_20 = vector.broadcast %jit3A_19 : f32 to vector<80x128xf32>
    %select_n3A_21 = arith.select %gt3A_15, %rsqrt3A, %broadcast_in_dim3A_20 : vector<80x128xi1>, vector<80x128xf32>
    %swap3A_22 = arith.constant 0 : index
    %swap3A_23 = arith.constant 0 : index
    %swap3A_24 = vector.load %arg5[%swap3A_22, %swap3A_23] : memref<80x128xf32, #tpu.memory_space<vmem>>, vector<80x128xf32>
    tpu.vector_store %arg5[%swap3A_22, %swap3A_23], %select_n3A_21 {strides = array<i32>} : memref<80x128xf32, #tpu.memory_space<vmem>>, vector<80x128xf32>,
    return
  }
}

module attributes {stable_mosaic.version = 14 : i64} {
  func.func @body(%arg0: memref<10240x16xf32, #tpu.memory_space<vmem>>, %arg1: memref<10240x16xf32, #tpu.memory_space<vmem>>, %arg2: memref<1x16xf32, #tpu.memory_space<vmem>>, %arg3: memref<10240x16xf32, #tpu.memory_space<vmem>>) attributes {dimension_semantics = [], scalar_prefetch = 0 : i64, scratch_operands = 0 : i64, tpu.core_type = #tpu.core_type<tc>} {
    %get3A = arith.constant 0 : index
    %get3A_0 = arith.constant 0 : index
    %get3A_1 = vector.load %arg0[%get3A, %get3A_0] : memref<10240x16xf32, #tpu.memory_space<vmem>>, vector<10240x16xf32>
    %get3A_2 = arith.constant 0 : index
    %get3A_3 = arith.constant 0 : index
    %get3A_4 = vector.load %arg1[%get3A_2, %get3A_3] : memref<10240x16xf32, #tpu.memory_space<vmem>>, vector<10240x16xf32>
    %add3A = arith.addf %get3A_1, %get3A_4 : vector<10240x16xf32>
    %get3A_5 = arith.constant 0 : index
    %get3A_6 = arith.constant 0 : index
    %get3A_7 = vector.load %arg2[%get3A_5, %get3A_6] : memref<1x16xf32, #tpu.memory_space<vmem>>, vector<1x16xf32>
    %add3A_8 = vector.broadcast %get3A_7 : vector<1x16xf32> to vector<10240x16xf32>
    %add3A_9 = arith.addf %add3A, %add3A_8 : vector<10240x16xf32>
    %logistic3A = arith.negf %add3A_9 : vector<10240x16xf32>
    %logistic3A_10 = math.exp %logistic3A : vector<10240x16xf32>
    %logistic3A_11 = arith.constant 1.000000e+00 : f32
    %logistic3A_12 = vector.broadcast %logistic3A_11 : f32 to vector<10240x16xf32>
    %logistic3A_13 = arith.addf %logistic3A_12, %logistic3A_10 : vector<10240x16xf32>
    %logistic3A_14 = arith.divf %logistic3A_12, %logistic3A_13 : vector<10240x16xf32>
    %swap3A = arith.constant 0 : index
    %swap3A_15 = arith.constant 0 : index
    %swap3A_16 = vector.load %arg3[%swap3A, %swap3A_15] : memref<10240x16xf32, #tpu.memory_space<vmem>>, vector<10240x16xf32>
    tpu.vector_store %arg3[%swap3A, %swap3A_15], %logistic3A_14 {strides = array<i32>} : memref<10240x16xf32, #tpu.memory_space<vmem>>, vector<10240x16xf32>,
    return
  }
}

</mosaic_0001>

<sc_bundles>
// kernel: kernel.6.cloned.1.call-start
scs
__scs_entry_jumppad:
0x0: {  	(pc) =	sbr.rel $0x88, $3  }
0x1: {  	(tag) =	ssettag $0x0;
	lr =	simm.s32 $0x1  }
0x2: {  	[smem:$0x3F9C] =	sst lr;
	_ =	strace $0xD0000000  }
0x3: {  	_ = 	snop  }
0x4: {  	_ = 	snop  }
0x5: {  	_ = 	snop  }
0x6: {  	_ = 	snop  }
0x7: {  	_ = 	snop  }
__scs_overlays_trampoline_lowered:
0x8: {  	[smem:$0x3FAB] =	sst s0  }
0x9: {  	[smem:$0x3FAC] =	sst s1  }
0xa: {  	[smem:$0x3FAD] =	sst s2  }
0xb: {  	[smem:$0x3FAE] =	sst s3  }
0xc: {  	[smem:$0x3FAF] =	sst s4  }
0xd: {  	[smem:$0x3FB0] =	sst s5  }
0xe: {  	[smem:$0x3FB1] =	sst s6  }
0xf: {  	[smem:$0x3FB2] =	sst s7  }
0x10: {  	[smem:$0x3FB3] =	sst s8  }
0x11: {  	[smem:$0x3FB4] =	sst s9;
	s0 =	simm.s32 @!p0 $0x0  }
0x12: {  	s1 =	sld [smem:$0x3F9A];
	s0 =	simm.s32 @p0 $0x1  }
0x13: {  	[smem:$0x3FB5] =	sst s0;
	s0 =	simm.s32 @!p1 $0x0  }
0x14: {  	s2 =	sld [smem:$0x3F99];
	s0 =	simm.s32 @p1 $0x1  }
0x15: {  	[smem:$0x3FB6] =	sst s0;
	s0 =	simm.s32 @!p2 $0x0  }
0x16: {  	s3 =	sld [smem:$0x3FDB];
	s0 =	simm.s32 @p2 $0x1  }
0x17: {  	s4 =	simm.s32 $0x1BF5;
	[smem:$0x3FB8] =	sst s0  }
0x18: {  	s0 =	sld [smem:$0x3F9B];
	_ =	swait.ge [sflag:s4], $0x0  }
0x19: {  	s7 =	sld [smem:$0x3F9C]  }
0x1a: {  	s8 =	sadd.s32 $0xFFFFE003, lr  }
0x1b: {  	s9 =	sadd.s32 $0xFFFFFEF7, lr;
	s5 =	simm.s32 $0xFFFFFFFF;
	p2 =	slt.u32 s8, $0xFFFFF086  }
0x1c: {  	p1 =	slt.u32 s9, $0xF7A;
	s5 =	simm.s32 @!p2 $0x0  }
0x1d: {  	s5 =	simm.s32 @p1 $0x1;
	p0 =	seq.s32 s7, s2  }
0x1e: {  	s7 =	smul.u32 @!p0 $0xF7A, s2;
	p2 =	seq.s32 @!p0 s5, $0x0  }
0x1f: {  	s9 =	smul.u32 $0xF7A, s1;
	s8 =	simm.s32 @!p0 $0x1BF5;
	p2 =	por !p2, p0  }
0x20: {  	[sflag:s8] =	ssyncset.s32 @!p0 $0xFFFFF086;
	s6 =	sadd.s32 @!p0 s3, s7;
	s7 =	simm.s32 @!p0 $0x108  }
0x21: {  	s3 =	sadd.s32 s3, s9;
	s6 =	sadd.s32 @!p0 $0x88, s6;
	s7 =	simm.s32 @p2 $0x1082  }
0x22: {  	[simem:s7], [sflag:s8] =	dma.local @!p0 [hbm:s6], $0xF7A  }
0x23: {  	s9 =	sor.u32 $0xD0000000, s2;
	s6 =	simm.s32 $0x108;
	_ =	swait.ge @!p0 [sflag:s8], $0x0  }
0x24: {  	s3 =	sadd.s32 $0x88, s3;
	s6 =	simm.s32 @!p1 $0x1082;
	[sflag:s4] =	ssyncset.s32 $0xFFFFF086  }
0x25: {  	[simem:s6], [sflag:s4] =	dma.local [hbm:s3], $0xF7A  }
0x26: {  	[smem:$0x3F9C] =	sst s1;
	(tag) =	ssettag s2;
	_ =	strace s9  }
0x27: {  	s1 =	sld [smem:$0x3FAC]  }
0x28: {  	s2 =	sld [smem:$0x3FAD]  }
0x29: {  	s4 =	sld [smem:$0x3FAF]  }
0x2a: {  	p0 =	seq.s32 s5, $0x0;
	s5 =	sld [smem:$0x3FB0]  }
0x2b: {  	s6 =	sld [smem:$0x3FB1]  }
0x2c: {  	s7 =	sld [smem:$0x3FB2]  }
0x2d: {  	s3 =	simm.s32 $0x108;
	s8 =	sld [smem:$0x3FB3]  }
0x2e: {  	s3 =	simm.s32 @!p0 $0x1082;
	s9 =	sld [smem:$0x3FB4]  }
0x2f: {  	lr =	sadd.s32 s0, s3;
	s0 =	sld [smem:$0x3FAB]  }
0x30: {  	s3 =	sld [smem:$0x3FAE]  }
0x31: {  	[smem:$0x3FB7] =	sst s10  }
0x32: {  	s10 =	sld [smem:$0x3FB5];
	_ =	sdelay $0x3  }
0x33: {  	p0 =	seq.s32 s10, $0x1;
	s10 =	sld [smem:$0x3FB7];
	_ =	sdelay $0x3  }
0x34: {  	[smem:$0x3FB7] =	sst s10  }
0x35: {  	s10 =	sld [smem:$0x3FB6];
	_ =	sdelay $0x3  }
0x36: {  	p1 =	seq.s32 s10, $0x1;
	s10 =	sld [smem:$0x3FB7];
	_ =	sdelay $0x3  }
0x37: {  	[smem:$0x3FB7] =	sst s10  }
0x38: {  	s10 =	sld [smem:$0x3FB8]  }
0x39: {  	_ = 	snop;
	(pc) =	sbr.ind lr, $3  }
0x3a: {  	_ = 	snop  }
0x3b: {  	_ = 	snop  }
0x3c: {  	p2 =	seq.s32 s10, $0x1;
	s10 =	sld [smem:$0x3FB7]  }
0x3d: {  	_ =	shalt  }
0x3e: {  	_ =	shalt  }
0x3f: {  	_ =	shalt  }
0x40: {  	_ =	shalt  }
0x41: {  	_ =	shalt  }
0x42: {  	_ =	shalt  }
0x43: {  	_ =	shalt  }
0x44: {  	_ =	shalt  }
0x45: {  	_ =	shalt  }
0x46: {  	_ =	shalt  }
0x47: {  	_ =	shalt  }
0x48: {  	_ =	shalt  }
0x49: {  	_ =	shalt  }
0x4a: {  	_ =	shalt  }
0x4b: {  	_ =	shalt  }
0x4c: {  	_ =	shalt  }
0x4d: {  	_ =	shalt  }
0x4e: {  	_ =	shalt  }
0x4f: {  	_ =	shalt  }
0x50: {  	_ =	shalt  }
0x51: {  	_ =	shalt  }
0x52: {  	_ =	shalt  }
0x53: {  	_ =	shalt  }
0x54: {  	_ =	shalt  }
0x55: {  	_ =	shalt  }
0x56: {  	_ =	shalt  }
0x57: {  	_ =	shalt  }
0x58: {  	_ =	shalt  }
0x59: {  	_ =	shalt  }
0x5a: {  	_ =	shalt  }
0x5b: {  	_ =	shalt  }
0x5c: {  	_ =	shalt  }
0x5d: {  	_ =	shalt  }
0x5e: {  	_ =	shalt  }
0x5f: {  	_ =	shalt  }
0x60: {  	_ =	shalt  }
0x61: {  	_ =	shalt  }
0x62: {  	_ =	shalt  }
0x63: {  	_ =	shalt  }
0x64: {  	_ =	shalt  }
0x65: {  	_ =	shalt  }
0x66: {  	_ =	shalt  }
0x67: {  	_ =	shalt  }
0x68: {  	_ =	shalt  }
0x69: {  	_ =	shalt  }
0x6a: {  	_ =	shalt  }
0x6b: {  	_ =	shalt  }
0x6c: {  	_ =	shalt  }
0x6d: {  	_ =	shalt  }
0x6e: {  	_ =	shalt  }
0x6f: {  	_ =	shalt  }
0x70: {  	_ =	shalt  }
0x71: {  	_ =	shalt  }
0x72: {  	_ =	shalt  }
0x73: {  	_ =	shalt  }
0x74: {  	_ =	shalt  }
0x75: {  	_ =	shalt  }
0x76: {  	_ =	shalt  }
0x77: {  	_ =	shalt  }
0x78: {  	_ =	shalt  }
0x79: {  	_ =	shalt  }
0x7a: {  	_ =	shalt  }
0x7b: {  	_ =	shalt  }
0x7c: {  	_ =	shalt  }
0x7d: {  	_ =	shalt  }
0x7e: {  	_ =	shalt  }
0x7f: {  	_ =	shalt  }
0x80: {  	_ =	shalt  }
0x81: {  	_ =	shalt  }
0x82: {  	_ =	shalt  }
0x83: {  	_ =	shalt  }
0x84: {  	_ =	shalt  }
0x85: {  	_ =	shalt  }
0x86: {  	_ =	shalt  }
0x87: {  	_ =	shalt  }
.Lfunc_end0:
.L_simem_size_0:
called_computation_lowered:
.L_overlay_start_0:
0x88: {  	s2 =	sld [smem:$0x3FD9]  }
0x89: {  	s3 =	sld [smem:$0x3FFE];
	_ =	sdelay $0x1  }
0x8a: {  	s1 =	srdreg.scid  }
0x8b: {  	s0 =	sand.u32 $0x1, s1  }
0x8c: {  	s17 =	sshll.u32 s0, $0xA;
	s2 =	sadd.s32 s3, s2  }
0x8d: {  	s2 =	sadd.s32 s2, s17  }
0x8e: {  	[smem:$0x3FC3] =	sst s2  }
0x8f: {  	_ = 	snop  }
0x90: {  	s2 =	sld [smem:$0x3FD0];
	(tm) =	ssettm $0x1  }
0x91: {  	s18 =	sld [smem:$0x3FFB];
	_ =	sdelay $0x3  }
0x92: {  	_ =	strace s18  }
0x93: {  	s3 =	sld [smem:$0x3FFC];
	_ =	sdelay $0x3  }
0x94: {  	_ =	strace s3  }
0x95: {  	s3 =	sld [smem:$0x3FFD];
	_ =	sdelay $0x3  }
0x96: {  	_ =	strace s3  }
0x97: {  	_ =	strace $0x8FFFFFFF  }
0x98: {  	s19 =	sld [smem:$0x3FDB];
	_ =	sdelay $0x1  }
0x99: {  	s4 =	simm.s32 $_scs_section_size  }
0x9a: {  	s5 =	simm.s32 $_size__tile_overlayer_lowered;
	s6 =	simm.s32 $_tile_overlayer_lowered  }
0x9b: {  	s22 =	simm.s32 $0x1BFF;
	s21 =	sshll.u32 s6, $0x1;
	s3 =	sadd.s32 s4, s19  }
0x9c: {  	s7 =	simm.s32 $0x0;
	s20 =	sshll.u32 s5, $0x1;
	s5 =	sadd.s32 s21, s3  }
0x9d: {  	[timem:s7], [sflag:s22] =	dma.local [hbm:s5], s20  }
0x9e: {  	_ =	swait.ge [sflag:s22], s20  }
0x9f: {  	s4 =	ssub.s32 $0x0, s20;
	[sflag:s22] =	ssyncset.done $0x0  }
0xa0: {  	[sflag:s22] =	ssyncadd.s32 s4;
	_ =	sdelay $0x1  }
0xa1: {  	s23 =	simm.s32 $0x1B8B  }
0xa2: {  	_ =	swait.ge [sflag:s23], $0x1  }
0xa3: {  	[sflag:s23] =	ssyncset.done $0x0  }
0xa4: {  	s25 =	simm.s32 $0x1B8E;
	s24 =	sld [smem:$0x3FFE];
	[sflag:s23] =	ssyncadd.s32 $0xFFFFFFFF  }
0xa5: {  	s26 =	simm.s32 $execute0_lowered;
	[smem:$0x3FD2] =	sst s25  }
0xa6: {  	s5 =	sshll.u32 s26, $0x1;
	_ =	strace $0x80000046;
	[dreg:$0x1] =	wrdreg $0xFFFFFFFF  }
0xa7: {  	s28 =	simm.s32 $_size_execute0_lowered;
	s3 =	sadd.s32 s3, s5;
	[dreg:$0x0] =	wrdreg $0x0  }
0xa8: {  	s5 =	sshll.u32 s28, $0x1;
	[dreg:$0x2] =	wrdreg s3  }
0xa9: {  	[dreg:$0x3] =	wrdreg s5  }
0xaa: {  	[dreg:$0x4] =	wrdreg $0xC0  }
0xab: {  	_ =	task [dreg:s7], $0x5FFFF  }
0xac: {  	[dreg:$0x1] =	wrdreg $0xFFFFFFFF  }
0xad: {  	[dreg:$0x0] =	wrdreg $0x60  }
0xae: {  	[dreg:$0x2] =	wrdreg s24  }
0xaf: {  	[dreg:$0x3] =	wrdreg s2  }
0xb0: {  	[dreg:$0x4] =	wrdreg $0x0  }
0xb1: {  	[dreg:$0x5] =	wrdreg $0x9  }
0xb2: {  	_ =	task.clear_ibuf [dreg:s7], $0x6FFFF;
	_ =	strace $0x90000046  }
0xb3: {  	s29 =	simm.s32 $0x9;
	_ =	strace $0x80000048  }
0xb4: {  	_ =	swait.ge [sflag:s29], $0x1  }
0xb5: {  	[sflag:s29] =	ssyncadd.s32 $0xFFFFFFFF  }
0xb6: {  	_ =	strace $0x90000048  }
0xb7: {  	_ =	sfence  }
0xb8: {  	s30 =	sld [smem:$0x0];
	_ =	sdelay $0x2  }
0xb9: {  	s31 =	sshll.u32 s1, $0xD;
	s1 =	sshrl.u32 s1, $0x2  }
0xba: {  	s3 =	sand.u32 $0x4000, s31;
	s1 =	sadd.s32 s1, s30  }
0xbb: {  	s0 =	sor.u32 s3, s0;
	s1 =	sshll.u32 s1, $0x11  }
0xbc: {  	s0 =	sor.u32 s1, s0  }
0xbd: {  	s0 =	sadd.s32 $0x8F2B, s0  }
0xbe: {  	[sflag:s0] =	ssyncadd.remote.s32 $0x1  }
0xbf: {  	_ =	sfence.sel $0xFFFF  }
0xc0: {  	[dreg:$0x0] =	wrdreg $0xFFFFFFFF;
	(pc) =	sbr.abs _section_cstart, $3  }
0xc1: {  	[dreg:$0x1] =	wrdreg $0xFFFFFFFF  }
0xc2: {  	_ =	task.clear_ibuf [dreg:s7], $0x2FFFF;
	_ =	strace $0x9FFFFFFF  }
0xc3: {  	(tm) =	ssettm $0x7FFFFFFF  }
tec
execute0_lowered:
.L_overlay_start_1:
0x0: {  	(tag) =	ssettag $0x1  }
0x1: {  	s4 =	rddreg [dreg:$0x0]  }
0x2: {  	s5 =	rddreg [dreg:$0x1]  }
0x3: {  	s0 =	srdreg.scid;
	s2 =	rddreg [dreg:$0x2]  }
0x4: {  	s1 =	rddreg [dreg:$0x3];
	s6 =	sand.u32 $0x1, s0  }
0x5: {  	s3 =	simm.s32 $0x0;
	s0 =	stileid.u32;
	s7 =	smul.u32 $0x28500, s6  }
0x6: {  	s11 =	simm.s32 $0x280;
	s12 =	simm.s32 $0x2D0;
	s8 =	smul.u32 $0x2850, s0  }
0x7: {  	s13 =	simm.s32 $0x50;
	s16 =	simm.s32 $0x0;
	s9 =	smul.u32 $0x280, s0  }
0x8: {  	[smem:$0x7FF] =	sst s3;
	s10 =	smul.u32 $0x2800, s6;
	s6 =	ssub.s32 $0x2, s6  }
0x9: {  	_ =	strace $0x80000047;
	s14 =	sshll.u32 s0, $0x6;
	s30 =	sshrl.u32 s6, $0x1  }
0xa: {  	s14 =	sor.u32 $0x1C01, s14;
	s7 =	sadd.s32 s8, s7;
	s28 =	sadd.s32 s9, s10  }
0xb: {  	s6 =	ssub.s32 s6, s30;
	s10 =	simm.s32 $0x1;
	s7 =	sshrl.u32 s7, $0x3  }
0xc: {  	s31 =	sshrl.u32 s28, $0x3;
	s6 =	smax.u32 s6, $0x1;
	s29 =	sadd.s32 s7, s4  }
0xd: {  	s4 =	sadd.s32 s9, s2;
	s5 =	sadd.s32 s5, s31;
	s9 =	simm.s32 $0x320  }
0xe: {  	v0 =	vimm.f32 $0.0e+00;
	s7 =	sadd.s32 $0x1600, s29;
	s8 =	sadd.s32 $0xB800, s29;
	s15 =	sshrl.u32 s4, $0x3  }
.LBB2_1:
0xf: {  	[tilespmem:$0x320] =	vst v0  }
0x10: {  	[tilespmem:$0x330] =	vst v0  }
0x11: {  	[tilespmem:$0x340] =	vst v0  }
0x12: {  	[tilespmem:$0x350] =	vst v0  }
0x13: {  	[tilespmem:$0x360] =	vst v0  }
0x14: {  	[tilespmem:$0x370] =	vst v0  }
0x15: {  	[tilespmem:$0x380] =	vst v0  }
0x16: {  	[tilespmem:$0x390] =	vst v0  }
0x17: {  	[tilespmem:$0x3A0] =	vst v0  }
0x18: {  	[tilespmem:$0x3B0] =	vst v0  }
0x19: {  	[tilespmem:$0x3C0] =	vst v0  }
0x1a: {  	[tilespmem:$0x3D0] =	vst v0  }
0x1b: {  	[tilespmem:$0x3E0] =	vst v0  }
0x1c: {  	[tilespmem:$0x3F0] =	vst v0  }
0x1d: {  	[tilespmem:$0x400] =	vst v0  }
0x1e: {  	[tilespmem:$0x410] =	vst v0  }
0x1f: {  	[tilespmem:$0x420] =	vst v0  }
0x20: {  	[tilespmem:$0x430] =	vst v0  }
0x21: {  	[tilespmem:$0x440] =	vst v0  }
0x22: {  	[tilespmem:$0x450] =	vst v0  }
0x23: {  	[tilespmem:$0x460] =	vst v0  }
0x24: {  	[tilespmem:$0x470] =	vst v0  }
0x25: {  	[tilespmem:$0x480] =	vst v0  }
0x26: {  	[tilespmem:$0x490] =	vst v0  }
0x27: {  	[tilespmem:$0x4A0] =	vst v0  }
0x28: {  	[tilespmem:$0x4B0] =	vst v0  }
0x29: {  	[tilespmem:$0x4C0] =	vst v0  }
0x2a: {  	[tilespmem:$0x4D0] =	vst v0  }
0x2b: {  	[tilespmem:$0x4E0] =	vst v0  }
0x2c: {  	[tilespmem:$0x4F0] =	vst v0  }
0x2d: {  	[tilespmem:$0x500] =	vst v0  }
0x2e: {  	[tilespmem:$0x510] =	vst v0  }
0x2f: {  	[tilespmem:$0x520] =	vst v0  }
0x30: {  	[tilespmem:$0x530] =	vst v0  }
0x31: {  	[tilespmem:$0x540] =	vst v0  }
0x32: {  	[tilespmem:$0x550] =	vst v0  }
0x33: {  	[tilespmem:$0x560] =	vst v0  }
0x34: {  	[tilespmem:$0x570] =	vst v0  }
0x35: {  	[tilespmem:$0x580] =	vst v0  }
0x36: {  	[tilespmem:$0x590] =	vst v0  }
0x37: {  	[spmem:s4] =	stream.linear.scatter [tilespmem:s9], [sflag:$0x1], $0x280, $0x38;
	[tilespmem:$0x5A0] =	vst v63  }
0x38: {  	_ =	swait.ge [sflag:s10], $0x280  }
0x39: {  	[sflag:s10] =	ssyncset.done $0x0  }
0x3a: {  	[sflag:s10] =	ssyncadd.s32 $0xFFFFFD80  }
0x3b: {  	s17 =	sadd.s32 $0x0, s8;
	[bflag:$0x0] =	sbarrier.arrive $0xFFFF  }
0x3c: {  	[tilespmem:s11], [sflag:$0x1] =	stream.linear.gather [hbm4b:s17+s3], $0x50, $0x38;
	[tilespmem:$0x5A0] =	vst v63  }
0x3d: {  	_ =	swait.ge [sflag:s10], $0x50  }
0x3e: {  	[sflag:s10] =	ssyncset.done $0x0  }
0x3f: {  	s31 =	sadd.s32 $0x0, s7;
	[sflag:s10] =	ssyncadd.s32 $0xFFFFFFB0  }
0x40: {  	[tilespmem:s12], [sflag:$0x1] =	stream.linear.gather [hbm4b:s31+s3], $0x50, $0x38;
	[tilespmem:$0x5A0] =	vst v63  }
0x41: {  	_ =	swait.ge [sflag:s10], $0x50  }
0x42: {  	[sflag:s10] =	ssyncset.done $0x0  }
0x43: {  	[sflag:s10] =	ssyncadd.s32 $0xFFFFFFB0  }
0x44: {  	[spmem:s2] =	stream.indirect.scatter.add.f32 [tilespmem:s12], [sflag:$0x1], $0x1, s11, s13, $0xb8;
	[tilespmem:$0x5A0] =	vst v63  }
0x45: {  	_ =	swait.ge [sflag:s10], $0x50  }
0x46: {  	s18 =	simm.s32 $0x14;
	s17 =	simm.s32 $0xA;
	[sflag:s10] =	ssyncset.done $0x0  }
.LBB2_2:
0x47: {  	s19 =	sadd.s32 s17, s8  }
0x48: {  	[sflag:s10] =	ssyncadd.s32 $0xFFFFFFB0;
	s20 =	smov.u32 s18;
	s21 =	sadd.s32 $0xA, s18  }
0x49: {  	[tilespmem:s11], [sflag:$0x1] =	stream.linear.gather [hbm4b:s19+s3], $0x50, $0x38;
	[tilespmem:$0x5A0] =	vst v63  }
0x4a: {  	p0 =	sne.s32 s18, $0x500;
	_ =	swait.ge [sflag:s10], $0x50  }
0x4b: {  	[sflag:s10] =	ssyncset.done $0x0  }
0x4c: {  	s18 =	sadd.s32 s17, s7;
	s17 =	smov.u32 s20;
	[sflag:s10] =	ssyncadd.s32 $0xFFFFFFB0  }
0x4d: {  	[tilespmem:s12], [sflag:$0x1] =	stream.linear.gather [hbm4b:s18+s3], $0x50, $0x38;
	[tilespmem:$0x5A0] =	vst v63  }
0x4e: {  	_ =	swait.ge [sflag:s10], $0x50  }
.Ltmp0:
0x4f: {  	[sflag:s10] =	ssyncset.done $0x0;
	(pc) =	sbr.rel @p0 .LBB2_2-.Ltmp0, $4  }
0x50: {  	[sflag:s10] =	ssyncadd.s32 $0xFFFFFFB0  }
0x51: {  	[spmem:s2] =	stream.indirect.scatter.add.f32 [tilespmem:s12], [sflag:$0x1], $0x1, s11, s13, $0xb8;
	[tilespmem:$0x5A0] =	vst v63  }
0x52: {  	_ =	swait.ge [sflag:s10], $0x50  }
0x53: {  	s18 =	smov.u32 s21;
	[sflag:s10] =	ssyncset.done $0x0  }
0x54: {  	s18 =	sadd.s32 s17, s8;
	[sflag:s10] =	ssyncadd.s32 $0xFFFFFFB0  }
0x55: {  	[tilespmem:s11], [sflag:$0x1] =	stream.linear.gather [hbm4b:s18+s3], $0x50, $0x38;
	[tilespmem:$0x5A0] =	vst v63  }
0x56: {  	_ =	swait.ge [sflag:s10], $0x50  }
0x57: {  	[sflag:s10] =	ssyncset.done $0x0  }
0x58: {  	s31 =	sadd.s32 s17, s7;
	[sflag:s10] =	ssyncadd.s32 $0xFFFFFFB0  }
0x59: {  	[tilespmem:s12], [sflag:$0x1] =	stream.linear.gather [hbm4b:s31+s3], $0x50, $0x38;
	[tilespmem:$0x5A0] =	vst v63  }
0x5a: {  	_ =	swait.ge [sflag:s10], $0x50  }
0x5b: {  	[sflag:s10] =	ssyncset.done $0x0  }
0x5c: {  	[sflag:s10] =	ssyncadd.s32 $0xFFFFFFB0  }
0x5d: {  	[spmem:s2] =	stream.indirect.scatter.add.f32 [tilespmem:s12], [sflag:$0x1], $0x1, s11, s13, $0xb8;
	[tilespmem:$0x5A0] =	vst v63  }
0x5e: {  	_ =	swait.ge [sflag:s10], $0x50  }
0x5f: {  	s16 =	sadd.s32 $0x1, s16;
	[sflag:s10] =	ssyncset.done $0x0  }
0x60: {  	p0 =	sne.s32 s16, s6;
	[sflag:s10] =	ssyncadd.s32 $0xFFFFFFB0  }
.Ltmp1:
0x61: {  	[bflag:$0x0] =	sbarrier.arrive $0xFFFF;
	(pc) =	sbr.rel @p0 .LBB2_1-.Ltmp1, $4  }
0x62: {  	[hbm:s5], [sflag:s14] =	dma.local [spmem:s15], $0x50  }
0x63: {  	_ =	swait.ge [sflag:s10], $0x50  }
0x64: {  	[sflag:s10] =	ssyncset.done $0x0  }
0x65: {  	[sflag:s10] =	ssyncadd.s32 $0xFFFFFFB0  }
0x66: {  	_ =	sfence.sel $0x180000  }
0x67: {  	[bflag:$0x0] =	sbarrier.arrive $0xFFFF  }
0x68: {  	p0 =	sne.s32 s0, $0x0;
	_ =	strace $0x90000047  }
0x69: {  	s0 =	sadd.s32 @!p0 $0x100000, s1;
	[bflag:$0x2] =	sbarrier.arrive $0xFFFF  }
0x6a: {  	[sflag:s0] =	ssyncadd.tile.s32 @!p0 $0x1;
	_ =	shalt  }
.Lfunc_end2:
_tile_overlayer_lowered:
.L_overlay_start_2:
0x6b: {  	(tag) =	ssettag $0x2  }
0x6c: {  	s0 =	rddreg [dreg:$0x0];
	s2 =	stileid.u32  }
0x6d: {  	s1 =	rddreg [dreg:$0x1];
	p0 =	sne.s32 s2, $0x0  }
0x6e: {  	s3 =	rddreg [dreg:$0x2];
	[bflag:$0x3] =	sbarrier.arrive $0xFFFF;
	s2 =	simm.s32 @!p0 $0x1C01  }
0x6f: {  	[timem:s3], [sflag:s2] =	dma.local @!p0 [hbm:s0], s1  }
0x70: {  	s0 =	simm.s32 @!p0 $0x1  }
0x71: {  	_ =	swait.ge @!p0 [sflag:s0], s1  }
0x72: {  	s1 =	ssub.s32 @!p0 $0x0, s1;
	[sflag:s0] =	ssyncset.done @!p0 $0x0  }
0x73: {  	[sflag:s0] =	ssyncadd.s32 @!p0 s1  }
0x74: {  	[bflag:$0x3] =	sbarrier.arrive $0xFFFF  }
0x75: {  	_ =	shalt  }

// kernel: kernel.9.cloned.1.call-start
scs
__scs_entry_jumppad:
0x0: {  	(pc) =	sbr.rel $0x88, $3  }
0x1: {  	(tag) =	ssettag $0x0;
	lr =	simm.s32 $0x1  }
0x2: {  	[smem:$0x3F9C] =	sst lr;
	_ =	strace $0xD0000000  }
0x3: {  	_ = 	snop  }
0x4: {  	_ = 	snop  }
0x5: {  	_ = 	snop  }
0x6: {  	_ = 	snop  }
0x7: {  	_ = 	snop  }
__scs_overlays_trampoline_lowered:
0x8: {  	[smem:$0x3FAB] =	sst s0  }
0x9: {  	[smem:$0x3FAC] =	sst s1  }
0xa: {  	[smem:$0x3FAD] =	sst s2  }
0xb: {  	[smem:$0x3FAE] =	sst s3  }
0xc: {  	[smem:$0x3FAF] =	sst s4  }
0xd: {  	[smem:$0x3FB0] =	sst s5  }
0xe: {  	[smem:$0x3FB1] =	sst s6  }
0xf: {  	[smem:$0x3FB2] =	sst s7  }
0x10: {  	[smem:$0x3FB3] =	sst s8  }
0x11: {  	[smem:$0x3FB4] =	sst s9;
	s0 =	simm.s32 @!p0 $0x0  }
0x12: {  	s1 =	sld [smem:$0x3F9A];
	s0 =	simm.s32 @p0 $0x1  }
0x13: {  	[smem:$0x3FB5] =	sst s0;
	s0 =	simm.s32 @!p1 $0x0  }
0x14: {  	s2 =	sld [smem:$0x3F99];
	s0 =	simm.s32 @p1 $0x1  }
0x15: {  	[smem:$0x3FB6] =	sst s0;
	s0 =	simm.s32 @!p2 $0x0  }
0x16: {  	s3 =	sld [smem:$0x3FDB];
	s0 =	simm.s32 @p2 $0x1  }
0x17: {  	s4 =	simm.s32 $0x1BF5;
	[smem:$0x3FB8] =	sst s0  }
0x18: {  	s0 =	sld [smem:$0x3F9B];
	_ =	swait.ge [sflag:s4], $0x0  }
0x19: {  	s7 =	sld [smem:$0x3F9C]  }
0x1a: {  	s8 =	sadd.s32 $0xFFFFE003, lr  }
0x1b: {  	s9 =	sadd.s32 $0xFFFFFEF7, lr;
	s5 =	simm.s32 $0xFFFFFFFF;
	p2 =	slt.u32 s8, $0xFFFFF086  }
0x1c: {  	p1 =	slt.u32 s9, $0xF7A;
	s5 =	simm.s32 @!p2 $0x0  }
0x1d: {  	s5 =	simm.s32 @p1 $0x1;
	p0 =	seq.s32 s7, s2  }
0x1e: {  	s7 =	smul.u32 @!p0 $0xF7A, s2;
	p2 =	seq.s32 @!p0 s5, $0x0  }
0x1f: {  	s9 =	smul.u32 $0xF7A, s1;
	s8 =	simm.s32 @!p0 $0x1BF5;
	p2 =	por !p2, p0  }
0x20: {  	[sflag:s8] =	ssyncset.s32 @!p0 $0xFFFFF086;
	s6 =	sadd.s32 @!p0 s3, s7;
	s7 =	simm.s32 @!p0 $0x108  }
0x21: {  	s3 =	sadd.s32 s3, s9;
	s6 =	sadd.s32 @!p0 $0x88, s6;
	s7 =	simm.s32 @p2 $0x1082  }
0x22: {  	[simem:s7], [sflag:s8] =	dma.local @!p0 [hbm:s6], $0xF7A  }
0x23: {  	s9 =	sor.u32 $0xD0000000, s2;
	s6 =	simm.s32 $0x108;
	_ =	swait.ge @!p0 [sflag:s8], $0x0  }
0x24: {  	s3 =	sadd.s32 $0x88, s3;
	s6 =	simm.s32 @!p1 $0x1082;
	[sflag:s4] =	ssyncset.s32 $0xFFFFF086  }
0x25: {  	[simem:s6], [sflag:s4] =	dma.local [hbm:s3], $0xF7A  }
0x26: {  	[smem:$0x3F9C] =	sst s1;
	(tag) =	ssettag s2;
	_ =	strace s9  }
0x27: {  	s1 =	sld [smem:$0x3FAC]  }
0x28: {  	s2 =	sld [smem:$0x3FAD]  }
0x29: {  	s4 =	sld [smem:$0x3FAF]  }
0x2a: {  	p0 =	seq.s32 s5, $0x0;
	s5 =	sld [smem:$0x3FB0]  }
0x2b: {  	s6 =	sld [smem:$0x3FB1]  }
0x2c: {  	s7 =	sld [smem:$0x3FB2]  }
0x2d: {  	s3 =	simm.s32 $0x108;
	s8 =	sld [smem:$0x3FB3]  }
0x2e: {  	s3 =	simm.s32 @!p0 $0x1082;
	s9 =	sld [smem:$0x3FB4]  }
0x2f: {  	lr =	sadd.s32 s0, s3;
	s0 =	sld [smem:$0x3FAB]  }
0x30: {  	s3 =	sld [smem:$0x3FAE]  }
0x31: {  	[smem:$0x3FB7] =	sst s10  }
0x32: {  	s10 =	sld [smem:$0x3FB5];
	_ =	sdelay $0x3  }
0x33: {  	p0 =	seq.s32 s10, $0x1;
	s10 =	sld [smem:$0x3FB7];
	_ =	sdelay $0x3  }
0x34: {  	[smem:$0x3FB7] =	sst s10  }
0x35: {  	s10 =	sld [smem:$0x3FB6];
	_ =	sdelay $0x3  }
0x36: {  	p1 =	seq.s32 s10, $0x1;
	s10 =	sld [smem:$0x3FB7];
	_ =	sdelay $0x3  }
0x37: {  	[smem:$0x3FB7] =	sst s10  }
0x38: {  	s10 =	sld [smem:$0x3FB8]  }
0x39: {  	_ = 	snop;
	(pc) =	sbr.ind lr, $3  }
0x3a: {  	_ = 	snop  }
0x3b: {  	_ = 	snop  }
0x3c: {  	p2 =	seq.s32 s10, $0x1;
	s10 =	sld [smem:$0x3FB7]  }
0x3d: {  	_ =	shalt  }
0x3e: {  	_ =	shalt  }
0x3f: {  	_ =	shalt  }
0x40: {  	_ =	shalt  }
0x41: {  	_ =	shalt  }
0x42: {  	_ =	shalt  }
0x43: {  	_ =	shalt  }
0x44: {  	_ =	shalt  }
0x45: {  	_ =	shalt  }
0x46: {  	_ =	shalt  }
0x47: {  	_ =	shalt  }
0x48: {  	_ =	shalt  }
0x49: {  	_ =	shalt  }
0x4a: {  	_ =	shalt  }
0x4b: {  	_ =	shalt  }
0x4c: {  	_ =	shalt  }
0x4d: {  	_ =	shalt  }
0x4e: {  	_ =	shalt  }
0x4f: {  	_ =	shalt  }
0x50: {  	_ =	shalt  }
0x51: {  	_ =	shalt  }
0x52: {  	_ =	shalt  }
0x53: {  	_ =	shalt  }
0x54: {  	_ =	shalt  }
0x55: {  	_ =	shalt  }
0x56: {  	_ =	shalt  }
0x57: {  	_ =	shalt  }
0x58: {  	_ =	shalt  }
0x59: {  	_ =	shalt  }
0x5a: {  	_ =	shalt  }
0x5b: {  	_ =	shalt  }
0x5c: {  	_ =	shalt  }
0x5d: {  	_ =	shalt  }
0x5e: {  	_ =	shalt  }
0x5f: {  	_ =	shalt  }
0x60: {  	_ =	shalt  }
0x61: {  	_ =	shalt  }
0x62: {  	_ =	shalt  }
0x63: {  	_ =	shalt  }
0x64: {  	_ =	shalt  }
0x65: {  	_ =	shalt  }
0x66: {  	_ =	shalt  }
0x67: {  	_ =	shalt  }
0x68: {  	_ =	shalt  }
0x69: {  	_ =	shalt  }
0x6a: {  	_ =	shalt  }
0x6b: {  	_ =	shalt  }
0x6c: {  	_ =	shalt  }
0x6d: {  	_ =	shalt  }
0x6e: {  	_ =	shalt  }
0x6f: {  	_ =	shalt  }
0x70: {  	_ =	shalt  }
0x71: {  	_ =	shalt  }
0x72: {  	_ =	shalt  }
0x73: {  	_ =	shalt  }
0x74: {  	_ =	shalt  }
0x75: {  	_ =	shalt  }
0x76: {  	_ =	shalt  }
0x77: {  	_ =	shalt  }
0x78: {  	_ =	shalt  }
0x79: {  	_ =	shalt  }
0x7a: {  	_ =	shalt  }
0x7b: {  	_ =	shalt  }
0x7c: {  	_ =	shalt  }
0x7d: {  	_ =	shalt  }
0x7e: {  	_ =	shalt  }
0x7f: {  	_ =	shalt  }
0x80: {  	_ =	shalt  }
0x81: {  	_ =	shalt  }
0x82: {  	_ =	shalt  }
0x83: {  	_ =	shalt  }
0x84: {  	_ =	shalt  }
0x85: {  	_ =	shalt  }
0x86: {  	_ =	shalt  }
0x87: {  	_ =	shalt  }
.Lfunc_end0:
.L_simem_size_0:
called_computation.1_lowered:
.L_overlay_start_0:
0x88: {  	s2 =	sld [smem:$0x3FD9]  }
0x89: {  	s3 =	sld [smem:$0x3FFE];
	_ =	sdelay $0x1  }
0x8a: {  	s1 =	srdreg.scid  }
0x8b: {  	s0 =	sand.u32 $0x1, s1  }
0x8c: {  	s17 =	sshll.u32 s0, $0xA;
	s2 =	sadd.s32 s3, s2  }
0x8d: {  	s2 =	sadd.s32 s2, s17  }
0x8e: {  	[smem:$0x3FC3] =	sst s2  }
0x8f: {  	_ = 	snop  }
0x90: {  	s2 =	sld [smem:$0x3FD0];
	(tm) =	ssettm $0x1  }
0x91: {  	s18 =	sld [smem:$0x3FFB];
	_ =	sdelay $0x3  }
0x92: {  	_ =	strace s18  }
0x93: {  	s3 =	sld [smem:$0x3FFC];
	_ =	sdelay $0x3  }
0x94: {  	_ =	strace s3  }
0x95: {  	s3 =	sld [smem:$0x3FFD];
	_ =	sdelay $0x3  }
0x96: {  	_ =	strace s3  }
0x97: {  	_ =	strace $0x8FFFFFFF  }
0x98: {  	s19 =	sld [smem:$0x3FDB];
	_ =	sdelay $0x1  }
0x99: {  	s4 =	simm.s32 $_scs_section_size  }
0x9a: {  	s5 =	simm.s32 $_size__tile_overlayer_lowered;
	s6 =	simm.s32 $_tile_overlayer_lowered  }
0x9b: {  	s22 =	simm.s32 $0x1BFF;
	s21 =	sshll.u32 s6, $0x1;
	s3 =	sadd.s32 s4, s19  }
0x9c: {  	s7 =	simm.s32 $0x0;
	s20 =	sshll.u32 s5, $0x1;
	s5 =	sadd.s32 s21, s3  }
0x9d: {  	[timem:s7], [sflag:s22] =	dma.local [hbm:s5], s20  }
0x9e: {  	_ =	swait.ge [sflag:s22], s20  }
0x9f: {  	s4 =	ssub.s32 $0x0, s20;
	[sflag:s22] =	ssyncset.done $0x0  }
0xa0: {  	[sflag:s22] =	ssyncadd.s32 s4;
	_ =	sdelay $0x1  }
0xa1: {  	s23 =	simm.s32 $0x1B8B  }
0xa2: {  	_ =	swait.ge [sflag:s23], $0x1  }
0xa3: {  	[sflag:s23] =	ssyncset.done $0x0  }
0xa4: {  	s25 =	simm.s32 $0x1B8E;
	s24 =	sld [smem:$0x3FFE];
	[sflag:s23] =	ssyncadd.s32 $0xFFFFFFFF  }
0xa5: {  	s26 =	simm.s32 $execute0_lowered;
	[smem:$0x3FD2] =	sst s25  }
0xa6: {  	s5 =	sshll.u32 s26, $0x1;
	_ =	strace $0x80000049;
	[dreg:$0x1] =	wrdreg $0xFFFFFFFF  }
0xa7: {  	s28 =	simm.s32 $_size_execute0_lowered;
	s3 =	sadd.s32 s3, s5;
	[dreg:$0x0] =	wrdreg $0x0  }
0xa8: {  	s5 =	sshll.u32 s28, $0x1;
	[dreg:$0x2] =	wrdreg s3  }
0xa9: {  	[dreg:$0x3] =	wrdreg s5  }
0xaa: {  	[dreg:$0x4] =	wrdreg $0xC0  }
0xab: {  	_ =	task [dreg:s7], $0x5FFFF  }
0xac: {  	[dreg:$0x1] =	wrdreg $0xFFFFFFFF  }
0xad: {  	[dreg:$0x0] =	wrdreg $0x60  }
0xae: {  	[dreg:$0x2] =	wrdreg s24  }
0xaf: {  	[dreg:$0x3] =	wrdreg s2  }
0xb0: {  	[dreg:$0x4] =	wrdreg $0x0  }
0xb1: {  	[dreg:$0x5] =	wrdreg $0x9  }
0xb2: {  	_ =	task.clear_ibuf [dreg:s7], $0x6FFFF;
	_ =	strace $0x90000049  }
0xb3: {  	s29 =	simm.s32 $0x9;
	_ =	strace $0x8000004B  }
0xb4: {  	_ =	swait.ge [sflag:s29], $0x1  }
0xb5: {  	[sflag:s29] =	ssyncadd.s32 $0xFFFFFFFF  }
0xb6: {  	_ =	strace $0x9000004B  }
0xb7: {  	_ =	sfence  }
0xb8: {  	s30 =	sld [smem:$0x0];
	_ =	sdelay $0x2  }
0xb9: {  	s31 =	sshll.u32 s1, $0xD;
	s1 =	sshrl.u32 s1, $0x2  }
0xba: {  	s3 =	sand.u32 $0x4000, s31;
	s1 =	sadd.s32 s1, s30  }
0xbb: {  	s0 =	sor.u32 s3, s0;
	s1 =	sshll.u32 s1, $0x11  }
0xbc: {  	s0 =	sor.u32 s1, s0  }
0xbd: {  	s0 =	sadd.s32 $0x8F2B, s0  }
0xbe: {  	[sflag:s0] =	ssyncadd.remote.s32 $0x1  }
0xbf: {  	_ =	sfence.sel $0xFFFF  }
0xc0: {  	[dreg:$0x0] =	wrdreg $0xFFFFFFFF;
	(pc) =	sbr.abs _section_cstart, $3  }
0xc1: {  	[dreg:$0x1] =	wrdreg $0xFFFFFFFF  }
0xc2: {  	_ =	task.clear_ibuf [dreg:s7], $0x2FFFF;
	_ =	strace $0x9FFFFFFF  }
0xc3: {  	(tm) =	ssettm $0x7FFFFFFF  }
tec
execute0_lowered:
.L_overlay_start_1:
0x0: {  	(tag) =	ssettag $0x1  }
0x1: {  	s6 =	rddreg [dreg:$0x0]  }
0x2: {  	s2 =	rddreg [dreg:$0x1]  }
0x3: {  	s3 =	rddreg [dreg:$0x2]  }
0x4: {  	s0 =	srdreg.scid;
	s1 =	rddreg [dreg:$0x3];
	s4 =	simm.s32 $0x0  }
0x5: {  	s12 =	simm.s32 $0x2E90;
	s13 =	simm.s32 $0x1;
	s14 =	simm.s32 $0x2800  }
0x6: {  	s15 =	simm.s32 $0x2850;
	s16 =	simm.s32 $0x28A0;
	s5 =	sand.u32 $0x1, s0  }
0x7: {  	s17 =	simm.s32 $0x50;
	s0 =	stileid.u32;
	s7 =	smul.u32 $0x28500, s5  }
0x8: {  	s18 =	simm.s32 $0x28F0;
	s19 =	simm.s32 $0x2DF0;
	s8 =	smul.u32 $0x2850, s0  }
0x9: {  	s20 =	simm.s32 $0x2E40;
	[smem:$0x7FF] =	sst s4;
	s9 =	smul.u32 $0x2800, s0  }
0xa: {  	s22 =	simm.s32 $0x0;
	s10 =	smul.u32 $0x28000, s5;
	_ =	strace $0x8000004A  }
0xb: {  	s29 =	ssub.s32 $0x2, s5;
	s5 =	sadd.s32 $0x1FC00, s6;
	s21 =	sshll.u32 s0, $0x6  }
0xc: {  	s31 =	sshrl.u32 s29, $0x1;
	s7 =	sadd.s32 s8, s7;
	s28 =	sadd.s32 s9, s10  }
0xd: {  	s21 =	sor.u32 $0x1C01, s21;
	s7 =	sshrl.u32 s7, $0x3;
	s30 =	sshrl.u32 s28, $0x3  }
0xe: {  	s8 =	ssub.s32 s29, s31;
	s11 =	sadd.s32 s7, s6;
	s7 =	sadd.s32 s30, s6  }
0xf: {  	s8 =	smax.u32 s8, $0x1;
	s6 =	sadd.s32 s9, s3;
	s7 =	sadd.s32 $0x20200, s7  }
0x10: {  	v0 =	vimm.f32 $0.0e+00;
	s9 =	sadd.s32 $0x1600, s11;
	s10 =	sadd.s32 $0xB800, s11;
	s11 =	sadd.s32 $0x15A00, s11  }
.LBB2_1:
0x11: {  	s23 =	simm.s32 $0x40;
	s24 =	simm.s32 $0x0  }
.LBB2_2:
0x12: {  	p0 =	sne.s32 s23, $0x9FC0;
	[tilespmem:s24+$0x2E90] =	vst v0;
	s24 =	smov.u32 s23;
	s23 =	sadd.s32 $0x40, s23  }
.Ltmp0:
0x13: {  	(pc) =	sbr.rel @p0 .LBB2_2-.Ltmp0, $2  }
0x14: {  	_ =	sdelay $0x2  }
0x15: {  	s24 =	sshra.s32 s24, $0x2  }
0x16: {  	[tilespmem:s24+$0x2E90] =	vst v0  }
0x17: {  	[spmem:s6] =	stream.linear.scatter [tilespmem:s12], [sflag:$0x1], $0x2800, $0x38;
	[tilespmem:$0x5690] =	vst v63  }
0x18: {  	_ =	swait.ge [sflag:s13], $0x2800  }
0x19: {  	[sflag:s13] =	ssyncset.done $0x0  }
0x1a: {  	[sflag:s13] =	ssyncadd.s32 $0xFFFFD800  }
0x1b: {  	s23 =	simm.s32 $0x0;
	[bflag:$0x0] =	sbarrier.arrive $0xFFFF  }
.LBB2_4:
0x1c: {  	s24 =	sadd.s32 s23, s11  }
0x1d: {  	[tilespmem:s14], [sflag:$0x1] =	stream.linear.gather [hbm4b:s24+s4], $0x50, $0x38;
	[tilespmem:$0x5690] =	vst v63  }
0x1e: {  	_ =	swait.ge [sflag:s13], $0x50  }
0x1f: {  	[sflag:s13] =	ssyncset.done $0x0  }
0x20: {  	s30 =	sadd.s32 s23, s10;
	[sflag:s13] =	ssyncadd.s32 $0xFFFFFFB0  }
0x21: {  	[tilespmem:s15], [sflag:$0x1] =	stream.linear.gather [hbm4b:s30+s4], $0x50, $0x38;
	[tilespmem:$0x5690] =	vst v63  }
0x22: {  	_ =	swait.ge [sflag:s13], $0x50  }
0x23: {  	[sflag:s13] =	ssyncset.done $0x0  }
0x24: {  	s31 =	sadd.s32 s23, s9;
	[sflag:s13] =	ssyncadd.s32 $0xFFFFFFB0  }
0x25: {  	[tilespmem:s16], [sflag:$0x1] =	stream.linear.gather [hbm4b:s31+s4], $0x50, $0x38;
	[tilespmem:$0x5690] =	vst v63  }
0x26: {  	_ =	swait.ge [sflag:s13], $0x50  }
0x27: {  	[sflag:s13] =	ssyncset.done $0x0  }
0x28: {  	[sflag:s13] =	ssyncadd.s32 $0xFFFFFFB0  }
0x29: {  	[tilespmem:s18], [sflag:$0x1] =	stream.indirect.gather [hbm4b:s2+s17], $0x10, s14, s17, $0xb8;
	[tilespmem:$0x5690] =	vst v63  }
0x2a: {  	_ =	swait.ge [sflag:s13], $0x500  }
0x2b: {  	[sflag:s13] =	ssyncset.done $0x0  }
0x2c: {  	[sflag:s13] =	ssyncadd.s32 $0xFFFFFB00  }
0x2d: {  	[tilespmem:s19], [sflag:$0x1] =	stream.indirect.gather [hbm4b:s5+s17], $0x1, s14, s17, $0xb8;
	[tilespmem:$0x5690] =	vst v63  }
0x2e: {  	_ =	swait.ge [sflag:s13], $0x50  }
0x2f: {  	[sflag:s13] =	ssyncset.done $0x0  }
0x30: {  	[sflag:s13] =	ssyncadd.s32 $0xFFFFFFB0  }
0x31: {  	[tilespmem:s20], [sflag:$0x1] =	stream.indirect.gather [hbm4b:s5+s17], $0x1, s15, s17, $0xb8;
	[tilespmem:$0x5690] =	vst v63  }
0x32: {  	_ =	swait.ge [sflag:s13], $0x50  }
0x33: {  	[sflag:s13] =	ssyncset.done $0x0  }
0x34: {  	[sflag:s13] =	ssyncadd.s32 $0xFFFFFFB0  }
0x35: {  	v1 =	vld [tilespmem:$0x2DF0]  }
0x36: {  	v2 =	vld [tilespmem:$0x28A0]  }
0x37: {  	v3 =	vld [tilespmem:$0x2E40]  }
0x38: {  	v4 =	vld [tilespmem:$0x28F0]  }
0x39: {  	v5 =	vld [tilespmem:$0x2900]  }
0x3a: {  	v6 =	vld [tilespmem:$0x2910]  }
0x3b: {  	v7 =	vld [tilespmem:$0x2920]  }
0x3c: {  	v8 =	vld [tilespmem:$0x2930]  }
0x3d: {  	v9 =	vld [tilespmem:$0x2940]  }
0x3e: {  	v20 =	vld [tilespmem:$0x2E00]  }
0x3f: {  	v21 =	vld [tilespmem:$0x28B0]  }
0x40: {  	v10 =	vld [tilespmem:$0x2950];
	v1 =	vmul.f32 v2, v1  }
0x41: {  	v11 =	vld [tilespmem:$0x2970]  }
0x42: {  	v12 =	vld [tilespmem:$0x2990];
	v1 =	vmul.f32 v3, v1  }
0x43: {  	v14 =	vld [tilespmem:$0x29A0]  }
0x44: {  	v16 =	vld [tilespmem:$0x29B0];
	v61 =	vmul.f32 v21, v20;
	v13 =	vbroadcast v1, $0x0  }
0x45: {  	v17 =	vld [tilespmem:$0x29C0];
	v15 =	vbroadcast v1, $0x1;
	v42 =	vbroadcast v1, $0x2  }
0x46: {  	v18 =	vld [tilespmem:$0x29D0];
	v43 =	vbroadcast v1, $0x3;
	v44 =	vbroadcast v1, $0x4  }
0x47: {  	v19 =	vld [tilespmem:$0x29E0];
	v45 =	vbroadcast v1, $0x5;
	v46 =	vbroadcast v1, $0x6  }
0x48: {  	v22 =	vld [tilespmem:$0x2E50];
	v47 =	vbroadcast v1, $0x7;
	v49 =	vbroadcast v1, $0x8  }
0x49: {  	v50 =	vld [tilespmem:$0x29F0];
	v51 =	vbroadcast v1, $0x9;
	v4 =	vmul.f32 v13, v4  }
0x4a: {  	v2 =	vld [tilespmem:$0x2960];
	v54 =	vbroadcast v1, $0xA;
	v5 =	vmul.f32 v5, v15  }
0x4b: {  	v52 =	vld [tilespmem:$0x2A00];
	v56 =	vbroadcast v1, $0xB;
	v6 =	vmul.f32 v6, v42;
	[tilespmem:$0x28F0] =	vst v4  }
0x4c: {  	v3 =	vld [tilespmem:$0x2980];
	v59 =	vbroadcast v1, $0xC;
	v7 =	vmul.f32 v7, v43;
	[tilespmem:$0x2900] =	vst v5  }
0x4d: {  	v55 =	vld [tilespmem:$0x2A10];
	v24 =	vbroadcast v1, $0xD;
	v8 =	vmul.f32 v8, v44;
	[tilespmem:$0x2910] =	vst v6  }
0x4e: {  	v57 =	vld [tilespmem:$0x2A20];
	v9 =	vmul.f32 v9, v45;
	v48 =	vmul.f32 v10, v46;
	[tilespmem:$0x2920] =	vst v7  }
0x4f: {  	v60 =	vld [tilespmem:$0x2A30];
	v2 =	vmul.f32 v2, v47;
	v53 =	vmul.f32 v11, v49;
	[tilespmem:$0x2930] =	vst v8  }
0x50: {  	v62 =	vld [tilespmem:$0x2A40];
	v58 =	vmul.f32 v12, v54;
	v63 =	vmul.f32 v16, v59;
	[tilespmem:$0x2940] =	vst v9  }
0x51: {  	v25 =	vld [tilespmem:$0x2A50];
	v27 =	vmul.f32 v17, v24;
	v3 =	vmul.f32 v3, v51;
	[tilespmem:$0x2950] =	vst v48  }
0x52: {  	v26 =	vld [tilespmem:$0x2A60];
	[tilespmem:$0x2960] =	vst v2;
	v2 =	vbroadcast v1, $0xE;
	v9 =	vmul.f32 v22, v61  }
0x53: {  	v28 =	vld [tilespmem:$0x2A70];
	v5 =	vmul.f32 v14, v56;
	[tilespmem:$0x2970] =	vst v53;
	v1 =	vbroadcast v1, $0xF  }
0x54: {  	v29 =	vld [tilespmem:$0x2A80];
	[tilespmem:$0x2980] =	vst v3;
	v2 =	vmul.f32 v18, v2;
	v3 =	vbroadcast v9, $0x0  }
0x55: {  	v31 =	vld [tilespmem:$0x2A90];
	[tilespmem:$0x2990] =	vst v58;
	v1 =	vmul.f32 v19, v1;
	v30 =	vbroadcast v9, $0x1  }
0x56: {  	v33 =	vld [tilespmem:$0x2AA0];
	[tilespmem:$0x29B0] =	vst v63;
	v32 =	vbroadcast v9, $0x2;
	v35 =	vbroadcast v9, $0x3  }
0x57: {  	v36 =	vld [tilespmem:$0x2AB0];
	[tilespmem:$0x29C0] =	vst v27;
	v37 =	vbroadcast v9, $0x4;
	v39 =	vbroadcast v9, $0x5  }
0x58: {  	v38 =	vld [tilespmem:$0x2AC0];
	[tilespmem:$0x29A0] =	vst v5;
	v41 =	vbroadcast v9, $0x6;
	v43 =	vbroadcast v9, $0x7  }
0x59: {  	v44 =	vld [tilespmem:$0x2E10];
	v46 =	vbroadcast v9, $0x8;
	v3 =	vmul.f32 v3, v50;
	[tilespmem:$0x29D0] =	vst v2  }
0x5a: {  	v47 =	vld [tilespmem:$0x28C0];
	v49 =	vbroadcast v9, $0x9;
	v34 =	vmul.f32 v52, v30;
	[tilespmem:$0x29E0] =	vst v1  }
0x5b: {  	v40 =	vld [tilespmem:$0x2AD0];
	v51 =	vbroadcast v9, $0xA;
	v5 =	vmul.f32 v55, v32;
	[tilespmem:$0x29F0] =	vst v3  }
0x5c: {  	v42 =	vld [tilespmem:$0x2AE0];
	v53 =	vbroadcast v9, $0xB;
	v2 =	vmul.f32 v57, v35;
	[tilespmem:$0x2A00] =	vst v34  }
0x5d: {  	v21 =	vld [tilespmem:$0x2B50];
	v61 =	vbroadcast v9, $0xD;
	v1 =	vmul.f32 v60, v37;
	[tilespmem:$0x2A10] =	vst v5  }
0x5e: {  	v54 =	vld [tilespmem:$0x2B00];
	v20 =	vbroadcast v9, $0xF;
	v45 =	vmul.f32 v25, v41;
	[tilespmem:$0x2A20] =	vst v2  }
0x5f: {  	v58 =	vmul.f32 v47, v44;
	v48 =	vmul.f32 v26, v43;
	v50 =	vld [tilespmem:$0x2E60];
	[tilespmem:$0x2A30] =	vst v1  }
0x60: {  	v59 =	vld [tilespmem:$0x2B20];
	v55 =	vbroadcast v9, $0xC;
	v57 =	vmul.f32 v33, v53;
	[tilespmem:$0x2A50] =	vst v45  }
0x61: {  	v17 =	vld [tilespmem:$0x2C70];
	v23 =	vmul.f32 v42, v20;
	v2 =	vmul.f32 v28, v46;
	[tilespmem:$0x2A60] =	vst v48  }
0x62: {  	v56 =	vld [tilespmem:$0x2B10];
	v3 =	vmul.f32 v62, v39;
	v1 =	vmul.f32 v29, v49;
	[tilespmem:$0x2AA0] =	vst v57  }
0x63: {  	v63 =	vld [tilespmem:$0x2B40];
	v60 =	vmul.f32 v36, v55;
	[tilespmem:$0x2A70] =	vst v2;
	v2 =	vbroadcast v9, $0xE  }
0x64: {  	v52 =	vld [tilespmem:$0x2AF0];
	[tilespmem:$0x2A40] =	vst v3;
	v3 =	vmul.f32 v31, v51;
	v7 =	vmul.f32 v50, v58  }
0x65: {  	v22 =	vld [tilespmem:$0x2B60];
	[tilespmem:$0x2A80] =	vst v1;
	v1 =	vmul.f32 v38, v61;
	v2 =	vmul.f32 v40, v2  }
0x66: {  	v27 =	vld [tilespmem:$0x2B80];
	[tilespmem:$0x2A90] =	vst v3;
	v3 =	vbroadcast v7, $0x0;
	v24 =	vbroadcast v7, $0x1  }
0x67: {  	v19 =	vld [tilespmem:$0x2C80];
	[tilespmem:$0x2AE0] =	vst v23;
	v26 =	vbroadcast v7, $0x2;
	v28 =	vbroadcast v7, $0x3  }
0x68: {  	v25 =	vld [tilespmem:$0x2B70];
	[tilespmem:$0x2AB0] =	vst v60;
	v30 =	vbroadcast v7, $0x4;
	v33 =	vbroadcast v7, $0x5  }
0x69: {  	v62 =	vld [tilespmem:$0x2B30];
	[tilespmem:$0x2AC0] =	vst v1;
	v35 =	vbroadcast v7, $0x6;
	v3 =	vmul.f32 v3, v52  }
0x6a: {  	v29 =	vld [tilespmem:$0x2B90];
	v37 =	vbroadcast v7, $0x7;
	[tilespmem:$0x2AD0] =	vst v2;
	v1 =	vmul.f32 v54, v24  }
0x6b: {  	v31 =	vld [tilespmem:$0x2BA0];
	v39 =	vbroadcast v7, $0x8;
	v2 =	vmul.f32 v56, v26;
	[tilespmem:$0x2AF0] =	vst v3  }
0x6c: {  	v38 =	vld [tilespmem:$0x2E20];
	v42 =	vbroadcast v7, $0x9;
	v32 =	vmul.f32 v59, v28;
	[tilespmem:$0x2B00] =	vst v1  }
0x6d: {  	v40 =	vld [tilespmem:$0x28D0];
	v44 =	vbroadcast v7, $0xA;
	v41 =	vmul.f32 v22, v37;
	[tilespmem:$0x2B10] =	vst v2  }
0x6e: {  	v34 =	vld [tilespmem:$0x2BB0];
	v46 =	vbroadcast v7, $0xB;
	v3 =	vmul.f32 v62, v30;
	[tilespmem:$0x2B20] =	vst v32  }
0x6f: {  	v45 =	vld [tilespmem:$0x2E70];
	v48 =	vbroadcast v7, $0xC;
	v1 =	vmul.f32 v63, v33;
	[tilespmem:$0x2B60] =	vst v41  }
0x70: {  	v36 =	vld [tilespmem:$0x2BC0];
	v53 =	vbroadcast v7, $0xD;
	v2 =	vmul.f32 v21, v35;
	[tilespmem:$0x2B30] =	vst v3  }
0x71: {  	v47 =	vld [tilespmem:$0x2BE0];
	v50 =	vmul.f32 v31, v46;
	v3 =	vmul.f32 v25, v39;
	[tilespmem:$0x2B40] =	vst v1  }
0x72: {  	v43 =	vld [tilespmem:$0x2BD0];
	v51 =	vmul.f32 v40, v38;
	v1 =	vmul.f32 v27, v42;
	[tilespmem:$0x2B50] =	vst v2  }
0x73: {  	v49 =	vld [tilespmem:$0x2BF0];
	v56 =	vbroadcast v7, $0xF;
	v2 =	vmul.f32 v29, v44;
	[tilespmem:$0x2B70] =	vst v3  }
0x74: {  	v55 =	vld [tilespmem:$0x2C20];
	v6 =	vmul.f32 v45, v51;
	v3 =	vmul.f32 v34, v48;
	[tilespmem:$0x2B80] =	vst v1  }
0x75: {  	v52 =	vld [tilespmem:$0x2C00];
	v1 =	vbroadcast v7, $0xE;
	[tilespmem:$0x2B90] =	vst v2;
	v2 =	vmul.f32 v36, v53  }
0x76: {  	v54 =	vld [tilespmem:$0x2C10];
	[tilespmem:$0x2BA0] =	vst v50;
	v58 =	vbroadcast v6, $0x0;
	v60 =	vbroadcast v6, $0x1  }
0x77: {  	v57 =	vld [tilespmem:$0x2C30];
	v62 =	vbroadcast v6, $0x2;
	v1 =	vmul.f32 v43, v1;
	[tilespmem:$0x2BB0] =	vst v3  }
0x78: {  	v23 =	vld [tilespmem:$0x2CA0];
	v16 =	vbroadcast v6, $0x3;
	v3 =	vmul.f32 v47, v56;
	[tilespmem:$0x2BC0] =	vst v2  }
0x79: {  	v59 =	vld [tilespmem:$0x2C40];
	v18 =	vbroadcast v6, $0x4;
	v2 =	vmul.f32 v58, v49;
	[tilespmem:$0x2BD0] =	vst v1  }
0x7a: {  	v61 =	vld [tilespmem:$0x2C50];
	v20 =	vbroadcast v6, $0x5;
	v1 =	vmul.f32 v52, v60;
	[tilespmem:$0x2BE0] =	vst v3  }
0x7b: {  	v63 =	vld [tilespmem:$0x2C60];
	v22 =	vbroadcast v6, $0x6;
	v3 =	vmul.f32 v54, v62;
	[tilespmem:$0x2BF0] =	vst v2  }
0x7c: {  	v25 =	vld [tilespmem:$0x2E30];
	v24 =	vbroadcast v6, $0x7;
	v2 =	vmul.f32 v55, v16;
	[tilespmem:$0x2C00] =	vst v1  }
0x7d: {  	v27 =	vld [tilespmem:$0x28E0];
	v26 =	vbroadcast v6, $0x8;
	v1 =	vmul.f32 v57, v18;
	[tilespmem:$0x2C10] =	vst v3  }
0x7e: {  	v21 =	vld [tilespmem:$0x2C90];
	v28 =	vbroadcast v6, $0x9;
	v3 =	vmul.f32 v59, v20;
	[tilespmem:$0x2C20] =	vst v2  }
0x7f: {  	v31 =	vld [tilespmem:$0x2E80];
	v30 =	vbroadcast v6, $0xA;
	v2 =	vmul.f32 v61, v22;
	[tilespmem:$0x2C30] =	vst v1  }
0x80: {  	v29 =	vld [tilespmem:$0x2CB0];
	v32 =	vbroadcast v6, $0xB;
	v1 =	vmul.f32 v63, v24;
	[tilespmem:$0x2C40] =	vst v3  }
0x81: {  	v33 =	vld [tilespmem:$0x2CC0];
	v34 =	vbroadcast v6, $0xC;
	v3 =	vmul.f32 v17, v26;
	[tilespmem:$0x2C50] =	vst v2  }
0x82: {  	v35 =	vld [tilespmem:$0x2CD0];
	v36 =	vmul.f32 v27, v25;
	v2 =	vmul.f32 v19, v28;
	[tilespmem:$0x2C60] =	vst v1  }
0x83: {  	v37 =	vld [tilespmem:$0x2CE0];
	v38 =	vbroadcast v6, $0xD;
	v1 =	vmul.f32 v21, v30;
	[tilespmem:$0x2C70] =	vst v3  }
0x84: {  	v39 =	vld [tilespmem:$0x2CF0];
	v5 =	vmul.f32 v31, v36;
	v3 =	vmul.f32 v23, v32;
	[tilespmem:$0x2C80] =	vst v2  }
0x85: {  	v40 =	vld [tilespmem:$0x2D00];
	v2 =	vmul.f32 v29, v34;
	[tilespmem:$0x2C90] =	vst v1;
	v1 =	vbroadcast v6, $0xE  }
0x86: {  	v42 =	vld [tilespmem:$0x2D10];
	v41 =	vbroadcast v6, $0xF;
	[tilespmem:$0x2CA0] =	vst v3;
	v3 =	vmul.f32 v33, v38  }
0x87: {  	v43 =	vld [tilespmem:$0x2D20];
	[tilespmem:$0x2CB0] =	vst v2;
	v2 =	vbroadcast v5, $0x0;
	v1 =	vmul.f32 v35, v1  }
0x88: {  	v45 =	vld [tilespmem:$0x2D30];
	v44 =	vbroadcast v5, $0x1;
	[tilespmem:$0x2CC0] =	vst v3;
	v3 =	vmul.f32 v37, v41  }
0x89: {  	v46 =	vld [tilespmem:$0x2D40];
	[tilespmem:$0x2CD0] =	vst v1;
	v1 =	vmul.f32 v2, v39;
	v2 =	vbroadcast v5, $0x2  }
0x8a: {  	v48 =	vld [tilespmem:$0x2D50];
	v47 =	vbroadcast v5, $0x3;
	[tilespmem:$0x2CE0] =	vst v3;
	v3 =	vmul.f32 v40, v44  }
0x8b: {  	v49 =	vld [tilespmem:$0x2D60];
	[tilespmem:$0x2CF0] =	vst v1;
	v1 =	vmul.f32 v42, v2;
	v2 =	vbroadcast v5, $0x4  }
0x8c: {  	v51 =	vld [tilespmem:$0x2D70];
	v50 =	vbroadcast v5, $0x5;
	[tilespmem:$0x2D00] =	vst v3;
	v3 =	vmul.f32 v43, v47  }
0x8d: {  	v52 =	vld [tilespmem:$0x2D80];
	[tilespmem:$0x2D10] =	vst v1;
	v1 =	vmul.f32 v45, v2;
	v2 =	vbroadcast v5, $0x6  }
0x8e: {  	v54 =	vld [tilespmem:$0x2D90];
	v53 =	vbroadcast v5, $0x7;
	[tilespmem:$0x2D20] =	vst v3;
	v3 =	vmul.f32 v46, v50  }
0x8f: {  	v55 =	vld [tilespmem:$0x2DA0];
	[tilespmem:$0x2D30] =	vst v1;
	v1 =	vmul.f32 v48, v2;
	v2 =	vbroadcast v5, $0x8  }
0x90: {  	v57 =	vld [tilespmem:$0x2DB0];
	v56 =	vbroadcast v5, $0x9;
	[tilespmem:$0x2D40] =	vst v3;
	v3 =	vmul.f32 v49, v53  }
0x91: {  	v58 =	vld [tilespmem:$0x2DC0];
	[tilespmem:$0x2D50] =	vst v1;
	v1 =	vmul.f32 v51, v2;
	v2 =	vbroadcast v5, $0xA  }
0x92: {  	v60 =	vld [tilespmem:$0x2DD0];
	v59 =	vbroadcast v5, $0xB;
	[tilespmem:$0x2D60] =	vst v3;
	v3 =	vmul.f32 v52, v56  }
0x93: {  	v61 =	vld [tilespmem:$0x2DE0];
	[tilespmem:$0x2D70] =	vst v1;
	v1 =	vmul.f32 v54, v2;
	v2 =	vbroadcast v5, $0xC  }
0x94: {  	v62 =	vbroadcast v5, $0xD;
	[tilespmem:$0x2D80] =	vst v3;
	v3 =	vmul.f32 v55, v59  }
0x95: {  	[tilespmem:$0x2D90] =	vst v1;
	v1 =	vmul.f32 v57, v2;
	v2 =	vbroadcast v5, $0xE  }
0x96: {  	v63 =	vbroadcast v5, $0xF;
	[tilespmem:$0x2DA0] =	vst v3;
	v3 =	vmul.f32 v58, v62  }
0x97: {  	[tilespmem:$0x2DB0] =	vst v1;
	v1 =	vmul.f32 v60, v2  }
0x98: {  	[tilespmem:$0x2DC0] =	vst v3;
	v2 =	vmul.f32 v61, v63  }
0x99: {  	p0 =	sne.s32 s23, $0x500;
	[tilespmem:$0x2DD0] =	vst v1  }
.Ltmp1:
0x9a: {  	[tilespmem:$0x2DE0] =	vst v2;
	(pc) =	sbr.rel @p0 .LBB2_4-.Ltmp1, $4  }
0x9b: {  	[spmem:s3] =	stream.indirect.scatter.add.f32 [tilespmem:s18], [sflag:$0x1], $0x10, s15, s17, $0xb8;
	[tilespmem:$0x5690] =	vst v63  }
0x9c: {  	_ =	swait.ge [sflag:s13], $0x500  }
0x9d: {  	[sflag:s13] =	ssyncset.done $0x0  }
0x9e: {  	s23 =	sadd.s32 $0xA, s23;
	[sflag:s13] =	ssyncadd.s32 $0xFFFFFB00  }
0x9f: {  	s22 =	sadd.s32 $0x1, s22  }
0xa0: {  	p0 =	sne.s32 s22, s8  }
.Ltmp2:
0xa1: {  	[bflag:$0x0] =	sbarrier.arrive $0xFFFF;
	s23 =	sshrl.u32 s6, $0x3;
	(pc) =	sbr.rel @p0 .LBB2_1-.Ltmp2, $4  }
0xa2: {  	[hbm:s7], [sflag:s21] =	dma.local [spmem:s23], $0x500  }
0xa3: {  	_ =	swait.ge [sflag:s13], $0x500  }
0xa4: {  	[sflag:s13] =	ssyncset.done $0x0  }
0xa5: {  	[sflag:s13] =	ssyncadd.s32 $0xFFFFFB00  }
0xa6: {  	_ =	sfence.sel $0x180000  }
0xa7: {  	[bflag:$0x0] =	sbarrier.arrive $0xFFFF  }
0xa8: {  	p0 =	sne.s32 s0, $0x0;
	_ =	strace $0x9000004A  }
0xa9: {  	s0 =	sadd.s32 @!p0 $0x100000, s1;
	[bflag:$0x2] =	sbarrier.arrive $0xFFFF  }
0xaa: {  	[sflag:s0] =	ssyncadd.tile.s32 @!p0 $0x1;
	_ =	shalt  }
.Lfunc_end2:
_tile_overlayer_lowered:
.L_overlay_start_2:
0xab: {  	(tag) =	ssettag $0x2  }
0xac: {  	s0 =	rddreg [dreg:$0x0];
	s2 =	stileid.u32  }
0xad: {  	s1 =	rddreg [dreg:$0x1];
	p0 =	sne.s32 s2, $0x0  }
0xae: {  	s3 =	rddreg [dreg:$0x2];
	[bflag:$0x3] =	sbarrier.arrive $0xFFFF;
	s2 =	simm.s32 @!p0 $0x1C01  }
0xaf: {  	[timem:s3], [sflag:s2] =	dma.local @!p0 [hbm:s0], s1  }
0xb0: {  	s0 =	simm.s32 @!p0 $0x1  }
0xb1: {  	_ =	swait.ge @!p0 [sflag:s0], s1  }
0xb2: {  	s1 =	ssub.s32 @!p0 $0x0, s1;
	[sflag:s0] =	ssyncset.done @!p0 $0x0  }
0xb3: {  	[sflag:s0] =	ssyncadd.s32 @!p0 s1  }
0xb4: {  	[bflag:$0x3] =	sbarrier.arrive $0xFFFF  }
0xb5: {  	_ =	shalt  }

</sc_bundles>
